<compile_context>
chip_gen: v7x
topology: tpu7x:2x2x1
jax: 0.10.2.dev20260603
libtpu: 0.0.44.dev20260713+nightly
codegen_flags: <defaults>
</compile_context>

<pallas_src>
import functools

import jax
import jax.numpy as jnp
from jax import lax
from jax.experimental import pallas as pl
from jax.experimental.pallas import tpu as pltpu
from jax.experimental.pallas import tpu_sc as plsc

_N = 10000
_B = 2048
_DIN = 128
_W = 1280
_PLANES = 8
_R = 4224

_NC, _NS = 2, 16
_NW = _NC * _NS
_BPW = _B // _NW

_BB = 256
_GRID = _B // _BB


@functools.cache
def _make_sc_gather():
    @functools.partial(
        pl.kernel,
        mesh=plsc.VectorSubcoreMesh(core_axis_name="c", subcore_axis_name="s"),
        out_type=(
            jax.ShapeDtypeStruct((_B, _W), jnp.int32),
            jax.ShapeDtypeStruct((_B, _W), jnp.int32),
            jax.ShapeDtypeStruct((_B, _DIN), jnp.float32),
            jax.ShapeDtypeStruct((_B, _DIN), jnp.float32),
        ),
        scratch_types=[
            pltpu.VMEM((_BPW,), jnp.int32),
            pltpu.VMEM((_BPW, _W), jnp.int32),
            pltpu.VMEM((_BPW, _DIN), jnp.float32),
            pltpu.SemaphoreType.DMA,
        ],
    )
    def _sc_gather(nib_hbm, x_hbm, ci_hbm, cj_hbm, ii_hbm, jj_hbm,
                   ni_out, nj_out, xi_out, xj_out,
                   idx_v, rowsn_v, rowsx_v, sem):
        wid = lax.axis_index("s") * _NC + lax.axis_index("c")
        base = wid * _BPW
        pltpu.sync_copy(ci_hbm.at[pl.ds(base, _BPW)], idx_v)
        pltpu.async_copy(nib_hbm.at[idx_v], rowsn_v, sem).wait()
        pltpu.sync_copy(rowsn_v, ni_out.at[pl.ds(base, _BPW)])
        pltpu.sync_copy(ii_hbm.at[pl.ds(base, _BPW)], idx_v)
        pltpu.async_copy(x_hbm.at[idx_v], rowsx_v, sem).wait()
        pltpu.sync_copy(rowsx_v, xi_out.at[pl.ds(base, _BPW)])
        pltpu.sync_copy(cj_hbm.at[pl.ds(base, _BPW)], idx_v)
        pltpu.async_copy(nib_hbm.at[idx_v], rowsn_v, sem).wait()
        pltpu.sync_copy(rowsn_v, nj_out.at[pl.ds(base, _BPW)])
        pltpu.sync_copy(jj_hbm.at[pl.ds(base, _BPW)], idx_v)
        pltpu.async_copy(x_hbm.at[idx_v], rowsx_v, sem).wait()
        pltpu.sync_copy(rowsx_v, xj_out.at[pl.ds(base, _BPW)])

    return _sc_gather


def _tc_body(ni_ref, nj_ref, xi_ref, xj_ref, xt_ref,
             xcn_w1_ref, xcn_b1_ref, xcn_w2_ref, xcn_b2_ref,
             xij_w1_ref, xij_b1_ref, xij_w2_ref, xij_b2_ref,
             lin0_w_ref, lin0_b_ref, lin1_w_ref, lin1_b_ref,
             lin2_w_ref, lin2_b_ref, out_ref):
    f32 = jnp.float32
    ni = ni_ref[...]
    nj = nj_ref[...]
    acc = jnp.zeros((_BB, _DIN), f32)
    for p in range(_PLANES):
        s = 4 * p
        mi = (jnp.right_shift(ni, s) & 15) > 0
        mj = (jnp.right_shift(nj, s) & 15) > 0
        m = (mi & mj).astype(f32)
        acc = acc + jnp.dot(m, xt_ref[p], preferred_element_type=f32)
    relu = lambda a: jnp.maximum(a, 0.0)
    xcn = relu(jnp.dot(acc, xcn_w1_ref[...], preferred_element_type=f32) + xcn_b1_ref[...])
    xcn = jnp.dot(xcn, xcn_w2_ref[...], preferred_element_type=f32) + xcn_b2_ref[...]
    xij = xi_ref[...] * xj_ref[...]
    xij = relu(jnp.dot(xij, xij_w1_ref[...], preferred_element_type=f32) + xij_b1_ref[...])
    xij = jnp.dot(xij, xij_w2_ref[...], preferred_element_type=f32) + xij_b2_ref[...]
    h = xcn + xij
    h = relu(jnp.dot(h, lin0_w_ref[...], preferred_element_type=f32) + lin0_b_ref[...])
    h = relu(jnp.dot(h, lin1_w_ref[...], preferred_element_type=f32) + lin1_b_ref[...])
    out_ref[...] = jnp.dot(h, lin2_w_ref[...], preferred_element_type=f32) + lin2_b_ref[...]


def _full(shape):
    return pl.BlockSpec(shape, lambda b: tuple(0 for _ in shape))


def kernel(x, adj_t, tar_ei, xcn_w1, xcn_b1, xcn_w2, xcn_b2,
           xij_w1, xij_b1, xij_w2, xij_b2,
           lin0_w, lin0_b, lin1_w, lin1_b, lin2_w, lin2_b):
    f32 = jnp.float32
    x = x.astype(f32)

    u = adj_t[0].astype(jnp.int32)
    v = adj_t[1].astype(jnp.int32)
    ii = tar_ei[0].astype(jnp.int32)
    jj = tar_ei[1].astype(jnp.int32)

    mask = jnp.zeros((_N,), jnp.int32).at[ii].set(1).at[jj].set(1)
    rowid = jnp.cumsum(mask) - mask
    ci = jnp.take(rowid, ii)
    cj = jnp.take(rowid, jj)

    rel = jnp.take(mask, u) > 0
    e_idx = jnp.arange(u.shape[0], dtype=jnp.int32)
    spread = 4096 * _W + e_idx % ((_R - 4096) * _W)
    widx = jnp.where(rel, jnp.take(rowid, u) * _W + jnp.right_shift(v, 3), spread)
    nibval = jnp.where(rel, jnp.left_shift(jnp.int32(1), jnp.left_shift(v & 7, 2)), 0)
    nib = jnp.zeros((_R * _W,), jnp.int32).at[widx].add(nibval).reshape(_R, _W)

    xp = jnp.concatenate([x, jnp.zeros((_W * _PLANES - _N, _DIN), f32)], axis=0)
    xt = xp.reshape(_W, _PLANES, _DIN).transpose(1, 0, 2)

    ni, nj, xi, xj = _make_sc_gather()(nib, x, ci, cj, ii, jj)

    out = pl.pallas_call(
        _tc_body,
        grid=(_GRID,),
        in_specs=[
            pl.BlockSpec((_BB, _W), lambda b: (b, 0)),
            pl.BlockSpec((_BB, _W), lambda b: (b, 0)),
            pl.BlockSpec((_BB, _DIN), lambda b: (b, 0)),
            pl.BlockSpec((_BB, _DIN), lambda b: (b, 0)),
            _full((_PLANES, _W, _DIN)),
            _full((_DIN, 256)), _full((1, 256)),
            _full((256, 256)), _full((1, 256)),
            _full((_DIN, 256)), _full((1, 256)),
            _full((256, 256)), _full((1, 256)),
            _full((256, 256)), _full((1, 256)),
            _full((256, 256)), _full((1, 256)),
            _full((256, 1)), _full((1, 1)),
        ],
        out_specs=pl.BlockSpec((_BB, 1), lambda b: (b, 0)),
        out_shape=jax.ShapeDtypeStruct((_B, 1), f32),
    )(ni, nj, xi, xj, xt,
      xcn_w1, xcn_b1.reshape(1, 256), xcn_w2, xcn_b2.reshape(1, 256),
      xij_w1, xij_b1.reshape(1, 256), xij_w2, xij_b2.reshape(1, 256),
      lin0_w, lin0_b.reshape(1, 256), lin1_w, lin1_b.reshape(1, 256),
      lin2_w, lin2_b.reshape(1, 1))
    return jnp.squeeze(out, axis=1)

# --- scband reference (transcript-rebuilt; emitter-appended) ---
"""Pipeline reference for scband-ncnpredictor-39281770889759 (READ-ONLY COPY).

The authoritative reference and input builder live on the scoring server;
editing this copy changes nothing except your own understanding.
"""

import jax, jax.numpy as jnp
import numpy as np

N, E, B, DIN, DH, DOUT = 10000, 320000, 2048, 128, 256, 1

def _mk_lin(key, fan_in, fan_out):
    k1, k2 = jax.random.split(key)
    s = 1.0 / np.sqrt(fan_in)
    w = jax.random.uniform(k1, (fan_in, fan_out), minval=-s, maxval=s, dtype=jnp.float32)
    b = jax.random.uniform(k2, (fan_out,), minval=-s, maxval=s, dtype=jnp.float32)
    return w, b

def setup_inputs(seed: int = 0) -> dict:
    key = jax.random.key(seed)
    ks = jax.random.split(key, 12)
    x = jax.random.normal(ks[0], (N, DIN), dtype=jnp.float32)
    adj_t = jax.random.randint(ks[1], (2, E), 0, N, dtype=jnp.int32)
    tar_ei = jax.random.randint(ks[2], (2, B), 0, N, dtype=jnp.int32)
    xcn_w1, xcn_b1 = _mk_lin(ks[3], DIN, DH)
    xcn_w2, xcn_b2 = _mk_lin(ks[4], DH, DH)
    xij_w1, xij_b1 = _mk_lin(ks[5], DIN, DH)
    xij_w2, xij_b2 = _mk_lin(ks[6], DH, DH)
    lin0_w, lin0_b = _mk_lin(ks[7], DH, DH)
    lin1_w, lin1_b = _mk_lin(ks[8], DH, DH)
    lin2_w, lin2_b = _mk_lin(ks[9], DH, DOUT)
    return {"x": x, "adj_t": adj_t, "tar_ei": tar_ei,
            "xcn_w1": xcn_w1, "xcn_b1": xcn_b1, "xcn_w2": xcn_w2, "xcn_b2": xcn_b2,
            "xij_w1": xij_w1, "xij_b1": xij_b1, "xij_w2": xij_w2, "xij_b2": xij_b2,
            "lin0_w": lin0_w, "lin0_b": lin0_b, "lin1_w": lin1_w, "lin1_b": lin1_b,
            "lin2_w": lin2_w, "lin2_b": lin2_b}

def reference(x, adj_t, tar_ei,
              xcn_w1, xcn_b1, xcn_w2, xcn_b2,
              xij_w1, xij_b1, xij_w2, xij_b2,
              lin0_w, lin0_b, lin1_w, lin1_b, lin2_w, lin2_b):
    beta = 1.0
    # build dense {0,1} adjacency from edge list (adj_t plays the role of the sparse adj)
    A = jnp.zeros((N, N), dtype=jnp.float32).at[adj_t[0], adj_t[1]].set(1.0)
    xi = jnp.take(x, tar_ei[0], axis=0)
    xj = jnp.take(x, tar_ei[1], axis=0)
    # adjoverlap: common-neighbor indicator rows for each target pair (i, j)
    cn = jnp.take(A, tar_ei[0], axis=0) * jnp.take(A, tar_ei[1], axis=0)  # [B, N]
    # spmm_add(cn, x): sum features of common neighbors
    xcn = cn @ x  # [B, DIN]
    # xijlin MLP (no norm, eval -> dropout identity)
    xij = jax.nn.relu((xi * xj) @ xij_w1 + xij_b1) @ xij_w2 + xij_b2
    # xcnlin MLP
    xcn = jax.nn.relu(xcn @ xcn_w1 + xcn_b1) @ xcn_w2 + xcn_b2
    h = beta * xcn + xij
    # mlp_layers=3: two hidden linears with relu, then output linear
    h = jax.nn.relu(h @ lin0_w + lin0_b)
    h = jax.nn.relu(h @ lin1_w + lin1_b)
    out = h @ lin2_w + lin2_b
    return jnp.squeeze(out)

if __name__ == "__main__":
    import jax
    _d = setup_inputs()
    print(jax.jit(kernel)(*tuple(_d.values())))

</pallas_src>

<mosaic_0001>
#map = affine_map<(d0, d1) -> (0, 0)>
#map1 = affine_map<(d0, d1) -> (0)>
module attributes {stable_mosaic.version = 14 : i64} {
  func.func @_sc_gather(%arg0: i32, %arg1: i32, %arg2: memref<4224x1280xi32, #tpu.memory_space<hbm>>, %arg3: memref<10000x128xf32, #tpu.memory_space<hbm>>, %arg4: memref<2048xi32, #tpu.memory_space<hbm>>, %arg5: memref<2048xi32, #tpu.memory_space<hbm>>, %arg6: memref<2048xi32, #tpu.memory_space<hbm>>, %arg7: memref<2048xi32, #tpu.memory_space<hbm>>, %arg8: memref<2048x1280xi32, #tpu.memory_space<hbm>>, %arg9: memref<2048x1280xi32, #tpu.memory_space<hbm>>, %arg10: memref<2048x128xf32, #tpu.memory_space<hbm>>, %arg11: memref<2048x128xf32, #tpu.memory_space<hbm>>, %arg12: memref<64xi32, #tpu.memory_space<vmem>>, %arg13: memref<64x1280xi32, #tpu.memory_space<vmem>>, %arg14: memref<64x128xf32, #tpu.memory_space<vmem>>, %arg15: memref<!tpu.dma_semaphore, #tpu.memory_space<semaphore_mem>>) attributes {dimension_semantics = [#tpu.dimension_semantics<core_parallel>, #tpu.dimension_semantics<subcore_parallel>], iteration_bounds = array<i64: 2, 16>, scalar_prefetch = 0 : i64, scratch_operands = 4 : i64, tpu.core_type = #tpu.core_type<sc_vector_subcore>, window_params = [{transform_indices = #map}, {transform_indices = #map}, {transform_indices = #map1}, {transform_indices = #map1}, {transform_indices = #map1}, {transform_indices = #map1}, {transform_indices = #map}, {transform_indices = #map}, {transform_indices = #map}, {transform_indices = #map}]} {
    %mul3A = arith.constant 2 : i32
    %mul3A_0 = arith.muli %arg1, %mul3A : i32
    %add3A = arith.addi %mul3A_0, %arg0 : i32
    %mul3A_1 = arith.constant 64 : i32
    %mul3A_2 = arith.muli %add3A, %mul3A_1 : i32
    "tpu.region"() ({
      %run_scoped3A = tpu.sem_alloc : memref<!tpu.dma_semaphore, #tpu.memory_space<semaphore_mem>>
      %dma_start3A_25 = tpu.memref_slice %arg4[%mul3A_2] : memref<2048xi32, #tpu.memory_space<hbm>> -> memref<64xi32, #tpu.memory_space<hbm>>
      %dma_start3A_26 = tpu.memref_slice %arg4[%mul3A_2] : memref<2048xi32, #tpu.memory_space<hbm>> -> memref<64xi32, #tpu.memory_space<hbm>>
      tpu.enqueue_dma source(%dma_start3A_26 : memref<64xi32, #tpu.memory_space<hbm>>) target(%arg12 : memref<64xi32, #tpu.memory_space<vmem>>) target_semaphore(%run_scoped3A : memref<!tpu.dma_semaphore, #tpu.memory_space<semaphore_mem>>)
      %dma_wait3A_27 = tpu.memref_slice %arg4[%mul3A_2] : memref<2048xi32, #tpu.memory_space<hbm>> -> memref<64xi32, #tpu.memory_space<hbm>>
      %dma_wait3A_28 = tpu.memref_slice %arg4[%mul3A_2] : memref<2048xi32, #tpu.memory_space<hbm>> -> memref<64xi32, #tpu.memory_space<hbm>>
      tpu.wait_dma2 semaphore(%run_scoped3A : memref<!tpu.dma_semaphore, #tpu.memory_space<semaphore_mem>>) src(%dma_wait3A_28 : memref<64xi32, #tpu.memory_space<hbm>>) dst(%arg12 : memref<64xi32, #tpu.memory_space<vmem>>)
      tpu.yield
    }) : () -> ()
    %dma_start3A = arith.constant 0 : i32
    %dma_start3A_3 = arith.constant 0 : i32
    %dma_start3A_4 = tpu.memref_slice %arg2[%dma_start3A, %dma_start3A_3] : memref<4224x1280xi32, #tpu.memory_space<hbm>> -> memref<4224x1280xi32, #tpu.memory_space<hbm>>
    tpu.enqueue_indirect_dma source(%dma_start3A_4 : memref<4224x1280xi32, #tpu.memory_space<hbm>>) target(%arg13 : memref<64x1280xi32, #tpu.memory_space<vmem>>) offsets(%arg12 : memref<64xi32, #tpu.memory_space<vmem>>) semaphore(%arg15 : memref<!tpu.dma_semaphore, #tpu.memory_space<semaphore_mem>>)
    %dma_wait3A = arith.constant 0 : i32
    %dma_wait3A_5 = arith.constant 0 : i32
    %dma_wait3A_6 = tpu.memref_slice %arg2[%dma_wait3A, %dma_wait3A_5] : memref<4224x1280xi32, #tpu.memory_space<hbm>> -> memref<4224x1280xi32, #tpu.memory_space<hbm>>
    tpu.wait_indirect_dma semaphore(%arg15 : memref<!tpu.dma_semaphore, #tpu.memory_space<semaphore_mem>>) src(%dma_wait3A_6 : memref<4224x1280xi32, #tpu.memory_space<hbm>>) dst(%arg13 : memref<64x1280xi32, #tpu.memory_space<vmem>>)
    "tpu.region"() ({
      %run_scoped3A = tpu.sem_alloc : memref<!tpu.dma_semaphore, #tpu.memory_space<semaphore_mem>>
      %dma_start3A_25 = arith.constant 0 : i32
      %dma_start3A_26 = tpu.memref_slice %arg8[%mul3A_2, %dma_start3A_25] : memref<2048x1280xi32, #tpu.memory_space<hbm>> -> memref<64x1280xi32, #tpu.memory_space<hbm>>
      %dma_start3A_27 = arith.constant 0 : i32
      %dma_start3A_28 = tpu.memref_slice %arg8[%mul3A_2, %dma_start3A_27] : memref<2048x1280xi32, #tpu.memory_space<hbm>> -> memref<64x1280xi32, #tpu.memory_space<hbm>>
      tpu.enqueue_dma source(%arg13 : memref<64x1280xi32, #tpu.memory_space<vmem>>) target(%dma_start3A_28 : memref<64x1280xi32, #tpu.memory_space<hbm>>) target_semaphore(%run_scoped3A : memref<!tpu.dma_semaphore, #tpu.memory_space<semaphore_mem>>)
      %dma_wait3A_29 = arith.constant 0 : i32
      %dma_wait3A_30 = tpu.memref_slice %arg8[%mul3A_2, %dma_wait3A_29] : memref<2048x1280xi32, #tpu.memory_space<hbm>> -> memref<64x1280xi32, #tpu.memory_space<hbm>>
      %dma_wait3A_31 = arith.constant 0 : i32
      %dma_wait3A_32 = tpu.memref_slice %arg8[%mul3A_2, %dma_wait3A_31] : memref<2048x1280xi32, #tpu.memory_space<hbm>> -> memref<64x1280xi32, #tpu.memory_space<hbm>>
      tpu.wait_dma2 semaphore(%run_scoped3A : memref<!tpu.dma_semaphore, #tpu.memory_space<semaphore_mem>>) src(%arg13 : memref<64x1280xi32, #tpu.memory_space<vmem>>) dst(%dma_wait3A_32 : memref<64x1280xi32, #tpu.memory_space<hbm>>)
      tpu.yield
    }) : () -> ()
    "tpu.region"() ({
      %run_scoped3A = tpu.sem_alloc : memref<!tpu.dma_semaphore, #tpu.memory_space<semaphore_mem>>
      %dma_start3A_25 = tpu.memref_slice %arg6[%mul3A_2] : memref<2048xi32, #tpu.memory_space<hbm>> -> memref<64xi32, #tpu.memory_space<hbm>>
      %dma_start3A_26 = tpu.memref_slice %arg6[%mul3A_2] : memref<2048xi32, #tpu.memory_space<hbm>> -> memref<64xi32, #tpu.memory_space<hbm>>
      tpu.enqueue_dma source(%dma_start3A_26 : memref<64xi32, #tpu.memory_space<hbm>>) target(%arg12 : memref<64xi32, #tpu.memory_space<vmem>>) target_semaphore(%run_scoped3A : memref<!tpu.dma_semaphore, #tpu.memory_space<semaphore_mem>>)
      %dma_wait3A_27 = tpu.memref_slice %arg6[%mul3A_2] : memref<2048xi32, #tpu.memory_space<hbm>> -> memref<64xi32, #tpu.memory_space<hbm>>
      %dma_wait3A_28 = tpu.memref_slice %arg6[%mul3A_2] : memref<2048xi32, #tpu.memory_space<hbm>> -> memref<64xi32, #tpu.memory_space<hbm>>
      tpu.wait_dma2 semaphore(%run_scoped3A : memref<!tpu.dma_semaphore, #tpu.memory_space<semaphore_mem>>) src(%dma_wait3A_28 : memref<64xi32, #tpu.memory_space<hbm>>) dst(%arg12 : memref<64xi32, #tpu.memory_space<vmem>>)
      tpu.yield
    }) : () -> ()
    %dma_start3A_7 = arith.constant 0 : i32
    %dma_start3A_8 = arith.constant 0 : i32
    %dma_start3A_9 = tpu.memref_slice %arg3[%dma_start3A_7, %dma_start3A_8] : memref<10000x128xf32, #tpu.memory_space<hbm>> -> memref<10000x128xf32, #tpu.memory_space<hbm>>
    tpu.enqueue_indirect_dma source(%dma_start3A_9 : memref<10000x128xf32, #tpu.memory_space<hbm>>) target(%arg14 : memref<64x128xf32, #tpu.memory_space<vmem>>) offsets(%arg12 : memref<64xi32, #tpu.memory_space<vmem>>) semaphore(%arg15 : memref<!tpu.dma_semaphore, #tpu.memory_space<semaphore_mem>>)
    %dma_wait3A_10 = arith.constant 0 : i32
    %dma_wait3A_11 = arith.constant 0 : i32
    %dma_wait3A_12 = tpu.memref_slice %arg3[%dma_wait3A_10, %dma_wait3A_11] : memref<10000x128xf32, #tpu.memory_space<hbm>> -> memref<10000x128xf32, #tpu.memory_space<hbm>>
    tpu.wait_indirect_dma semaphore(%arg15 : memref<!tpu.dma_semaphore, #tpu.memory_space<semaphore_mem>>) src(%dma_wait3A_12 : memref<10000x128xf32, #tpu.memory_space<hbm>>) dst(%arg14 : memref<64x128xf32, #tpu.memory_space<vmem>>)
    "tpu.region"() ({
      %run_scoped3A = tpu.sem_alloc : memref<!tpu.dma_semaphore, #tpu.memory_space<semaphore_mem>>
      %dma_start3A_25 = arith.constant 0 : i32
      %dma_start3A_26 = tpu.memref_slice %arg10[%mul3A_2, %dma_start3A_25] : memref<2048x128xf32, #tpu.memory_space<hbm>> -> memref<64x128xf32, #tpu.memory_space<hbm>>
      %dma_start3A_27 = arith.constant 0 : i32
      %dma_start3A_28 = tpu.memref_slice %arg10[%mul3A_2, %dma_start3A_27] : memref<2048x128xf32, #tpu.memory_space<hbm>> -> memref<64x128xf32, #tpu.memory_space<hbm>>
      tpu.enqueue_dma source(%arg14 : memref<64x128xf32, #tpu.memory_space<vmem>>) target(%dma_start3A_28 : memref<64x128xf32, #tpu.memory_space<hbm>>) target_semaphore(%run_scoped3A : memref<!tpu.dma_semaphore, #tpu.memory_space<semaphore_mem>>)
      %dma_wait3A_29 = arith.constant 0 : i32
      %dma_wait3A_30 = tpu.memref_slice %arg10[%mul3A_2, %dma_wait3A_29] : memref<2048x128xf32, #tpu.memory_space<hbm>> -> memref<64x128xf32, #tpu.memory_space<hbm>>
      %dma_wait3A_31 = arith.constant 0 : i32
      %dma_wait3A_32 = tpu.memref_slice %arg10[%mul3A_2, %dma_wait3A_31] : memref<2048x128xf32, #tpu.memory_space<hbm>> -> memref<64x128xf32, #tpu.memory_space<hbm>>
      tpu.wait_dma2 semaphore(%run_scoped3A : memref<!tpu.dma_semaphore, #tpu.memory_space<semaphore_mem>>) src(%arg14 : memref<64x128xf32, #tpu.memory_space<vmem>>) dst(%dma_wait3A_32 : memref<64x128xf32, #tpu.memory_space<hbm>>)
      tpu.yield
    }) : () -> ()
    "tpu.region"() ({
      %run_scoped3A = tpu.sem_alloc : memref<!tpu.dma_semaphore, #tpu.memory_space<semaphore_mem>>
      %dma_start3A_25 = tpu.memref_slice %arg5[%mul3A_2] : memref<2048xi32, #tpu.memory_space<hbm>> -> memref<64xi32, #tpu.memory_space<hbm>>
      %dma_start3A_26 = tpu.memref_slice %arg5[%mul3A_2] : memref<2048xi32, #tpu.memory_space<hbm>> -> memref<64xi32, #tpu.memory_space<hbm>>
      tpu.enqueue_dma source(%dma_start3A_26 : memref<64xi32, #tpu.memory_space<hbm>>) target(%arg12 : memref<64xi32, #tpu.memory_space<vmem>>) target_semaphore(%run_scoped3A : memref<!tpu.dma_semaphore, #tpu.memory_space<semaphore_mem>>)
      %dma_wait3A_27 = tpu.memref_slice %arg5[%mul3A_2] : memref<2048xi32, #tpu.memory_space<hbm>> -> memref<64xi32, #tpu.memory_space<hbm>>
      %dma_wait3A_28 = tpu.memref_slice %arg5[%mul3A_2] : memref<2048xi32, #tpu.memory_space<hbm>> -> memref<64xi32, #tpu.memory_space<hbm>>
      tpu.wait_dma2 semaphore(%run_scoped3A : memref<!tpu.dma_semaphore, #tpu.memory_space<semaphore_mem>>) src(%dma_wait3A_28 : memref<64xi32, #tpu.memory_space<hbm>>) dst(%arg12 : memref<64xi32, #tpu.memory_space<vmem>>)
      tpu.yield
    }) : () -> ()
    %dma_start3A_13 = arith.constant 0 : i32
    %dma_start3A_14 = arith.constant 0 : i32
    %dma_start3A_15 = tpu.memref_slice %arg2[%dma_start3A_13, %dma_start3A_14] : memref<4224x1280xi32, #tpu.memory_space<hbm>> -> memref<4224x1280xi32, #tpu.memory_space<hbm>>
    tpu.enqueue_indirect_dma source(%dma_start3A_15 : memref<4224x1280xi32, #tpu.memory_space<hbm>>) target(%arg13 : memref<64x1280xi32, #tpu.memory_space<vmem>>) offsets(%arg12 : memref<64xi32, #tpu.memory_space<vmem>>) semaphore(%arg15 : memref<!tpu.dma_semaphore, #tpu.memory_space<semaphore_mem>>)
    %dma_wait3A_16 = arith.constant 0 : i32
    %dma_wait3A_17 = arith.constant 0 : i32
    %dma_wait3A_18 = tpu.memref_slice %arg2[%dma_wait3A_16, %dma_wait3A_17] : memref<4224x1280xi32, #tpu.memory_space<hbm>> -> memref<4224x1280xi32, #tpu.memory_space<hbm>>
    tpu.wait_indirect_dma semaphore(%arg15 : memref<!tpu.dma_semaphore, #tpu.memory_space<semaphore_mem>>) src(%dma_wait3A_18 : memref<4224x1280xi32, #tpu.memory_space<hbm>>) dst(%arg13 : memref<64x1280xi32, #tpu.memory_space<vmem>>)
    "tpu.region"() ({
      %run_scoped3A = tpu.sem_alloc : memref<!tpu.dma_semaphore, #tpu.memory_space<semaphore_mem>>
      %dma_start3A_25 = arith.constant 0 : i32
      %dma_start3A_26 = tpu.memref_slice %arg9[%mul3A_2, %dma_start3A_25] : memref<2048x1280xi32, #tpu.memory_space<hbm>> -> memref<64x1280xi32, #tpu.memory_space<hbm>>
      %dma_start3A_27 = arith.constant 0 : i32
      %dma_start3A_28 = tpu.memref_slice %arg9[%mul3A_2, %dma_start3A_27] : memref<2048x1280xi32, #tpu.memory_space<hbm>> -> memref<64x1280xi32, #tpu.memory_space<hbm>>
      tpu.enqueue_dma source(%arg13 : memref<64x1280xi32, #tpu.memory_space<vmem>>) target(%dma_start3A_28 : memref<64x1280xi32, #tpu.memory_space<hbm>>) target_semaphore(%run_scoped3A : memref<!tpu.dma_semaphore, #tpu.memory_space<semaphore_mem>>)
      %dma_wait3A_29 = arith.constant 0 : i32
      %dma_wait3A_30 = tpu.memref_slice %arg9[%mul3A_2, %dma_wait3A_29] : memref<2048x1280xi32, #tpu.memory_space<hbm>> -> memref<64x1280xi32, #tpu.memory_space<hbm>>
      %dma_wait3A_31 = arith.constant 0 : i32
      %dma_wait3A_32 = tpu.memref_slice %arg9[%mul3A_2, %dma_wait3A_31] : memref<2048x1280xi32, #tpu.memory_space<hbm>> -> memref<64x1280xi32, #tpu.memory_space<hbm>>
      tpu.wait_dma2 semaphore(%run_scoped3A : memref<!tpu.dma_semaphore, #tpu.memory_space<semaphore_mem>>) src(%arg13 : memref<64x1280xi32, #tpu.memory_space<vmem>>) dst(%dma_wait3A_32 : memref<64x1280xi32, #tpu.memory_space<hbm>>)
      tpu.yield
    }) : () -> ()
    "tpu.region"() ({
      %run_scoped3A = tpu.sem_alloc : memref<!tpu.dma_semaphore, #tpu.memory_space<semaphore_mem>>
      %dma_start3A_25 = tpu.memref_slice %arg7[%mul3A_2] : memref<2048xi32, #tpu.memory_space<hbm>> -> memref<64xi32, #tpu.memory_space<hbm>>
      %dma_start3A_26 = tpu.memref_slice %arg7[%mul3A_2] : memref<2048xi32, #tpu.memory_space<hbm>> -> memref<64xi32, #tpu.memory_space<hbm>>
      tpu.enqueue_dma source(%dma_start3A_26 : memref<64xi32, #tpu.memory_space<hbm>>) target(%arg12 : memref<64xi32, #tpu.memory_space<vmem>>) target_semaphore(%run_scoped3A : memref<!tpu.dma_semaphore, #tpu.memory_space<semaphore_mem>>)
      %dma_wait3A_27 = tpu.memref_slice %arg7[%mul3A_2] : memref<2048xi32, #tpu.memory_space<hbm>> -> memref<64xi32, #tpu.memory_space<hbm>>
      %dma_wait3A_28 = tpu.memref_slice %arg7[%mul3A_2] : memref<2048xi32, #tpu.memory_space<hbm>> -> memref<64xi32, #tpu.memory_space<hbm>>
      tpu.wait_dma2 semaphore(%run_scoped3A : memref<!tpu.dma_semaphore, #tpu.memory_space<semaphore_mem>>) src(%dma_wait3A_28 : memref<64xi32, #tpu.memory_space<hbm>>) dst(%arg12 : memref<64xi32, #tpu.memory_space<vmem>>)
      tpu.yield
    }) : () -> ()
    %dma_start3A_19 = arith.constant 0 : i32
    %dma_start3A_20 = arith.constant 0 : i32
    %dma_start3A_21 = tpu.memref_slice %arg3[%dma_start3A_19, %dma_start3A_20] : memref<10000x128xf32, #tpu.memory_space<hbm>> -> memref<10000x128xf32, #tpu.memory_space<hbm>>
    tpu.enqueue_indirect_dma source(%dma_start3A_21 : memref<10000x128xf32, #tpu.memory_space<hbm>>) target(%arg14 : memref<64x128xf32, #tpu.memory_space<vmem>>) offsets(%arg12 : memref<64xi32, #tpu.memory_space<vmem>>) semaphore(%arg15 : memref<!tpu.dma_semaphore, #tpu.memory_space<semaphore_mem>>)
    %dma_wait3A_22 = arith.constant 0 : i32
    %dma_wait3A_23 = arith.constant 0 : i32
    %dma_wait3A_24 = tpu.memref_slice %arg3[%dma_wait3A_22, %dma_wait3A_23] : memref<10000x128xf32, #tpu.memory_space<hbm>> -> memref<10000x128xf32, #tpu.memory_space<hbm>>
    tpu.wait_indirect_dma semaphore(%arg15 : memref<!tpu.dma_semaphore, #tpu.memory_space<semaphore_mem>>) src(%dma_wait3A_24 : memref<10000x128xf32, #tpu.memory_space<hbm>>) dst(%arg14 : memref<64x128xf32, #tpu.memory_space<vmem>>)
    "tpu.region"() ({
      %run_scoped3A = tpu.sem_alloc : memref<!tpu.dma_semaphore, #tpu.memory_space<semaphore_mem>>
      %dma_start3A_25 = arith.constant 0 : i32
      %dma_start3A_26 = tpu.memref_slice %arg11[%mul3A_2, %dma_start3A_25] : memref<2048x128xf32, #tpu.memory_space<hbm>> -> memref<64x128xf32, #tpu.memory_space<hbm>>
      %dma_start3A_27 = arith.constant 0 : i32
      %dma_start3A_28 = tpu.memref_slice %arg11[%mul3A_2, %dma_start3A_27] : memref<2048x128xf32, #tpu.memory_space<hbm>> -> memref<64x128xf32, #tpu.memory_space<hbm>>
      tpu.enqueue_dma source(%arg14 : memref<64x128xf32, #tpu.memory_space<vmem>>) target(%dma_start3A_28 : memref<64x128xf32, #tpu.memory_space<hbm>>) target_semaphore(%run_scoped3A : memref<!tpu.dma_semaphore, #tpu.memory_space<semaphore_mem>>)
      %dma_wait3A_29 = arith.constant 0 : i32
      %dma_wait3A_30 = tpu.memref_slice %arg11[%mul3A_2, %dma_wait3A_29] : memref<2048x128xf32, #tpu.memory_space<hbm>> -> memref<64x128xf32, #tpu.memory_space<hbm>>
      %dma_wait3A_31 = arith.constant 0 : i32
      %dma_wait3A_32 = tpu.memref_slice %arg11[%mul3A_2, %dma_wait3A_31] : memref<2048x128xf32, #tpu.memory_space<hbm>> -> memref<64x128xf32, #tpu.memory_space<hbm>>
      tpu.wait_dma2 semaphore(%run_scoped3A : memref<!tpu.dma_semaphore, #tpu.memory_space<semaphore_mem>>) src(%arg14 : memref<64x128xf32, #tpu.memory_space<vmem>>) dst(%dma_wait3A_32 : memref<64x128xf32, #tpu.memory_space<hbm>>)
      tpu.yield
    }) : () -> ()
    return
  }
}

module attributes {stable_mosaic.version = 14 : i64} {
  func.func @_tc_body(%arg0: i32, %arg1: memref<256x1280xi32, #tpu.memory_space<vmem>>, %arg2: memref<256x1280xi32, #tpu.memory_space<vmem>>, %arg3: memref<256x128xf32, #tpu.memory_space<vmem>>, %arg4: memref<256x128xf32, #tpu.memory_space<vmem>>, %arg5: memref<8x1280x128xf32, #tpu.memory_space<vmem>>, %arg6: memref<128x256xf32, #tpu.memory_space<vmem>>, %arg7: memref<1x256xf32, #tpu.memory_space<vmem>>, %arg8: memref<256x256xf32, #tpu.memory_space<vmem>>, %arg9: memref<1x256xf32, #tpu.memory_space<vmem>>, %arg10: memref<128x256xf32, #tpu.memory_space<vmem>>, %arg11: memref<1x256xf32, #tpu.memory_space<vmem>>, %arg12: memref<256x256xf32, #tpu.memory_space<vmem>>, %arg13: memref<1x256xf32, #tpu.memory_space<vmem>>, %arg14: memref<256x256xf32, #tpu.memory_space<vmem>>, %arg15: memref<1x256xf32, #tpu.memory_space<vmem>>, %arg16: memref<256x256xf32, #tpu.memory_space<vmem>>, %arg17: memref<1x256xf32, #tpu.memory_space<vmem>>, %arg18: memref<256x1xf32, #tpu.memory_space<vmem>>, %arg19: memref<1x1xf32, #tpu.memory_space<vmem>>, %arg20: memref<256x1xf32, #tpu.memory_space<vmem>>) attributes {dimension_semantics = [#tpu.dimension_semantics<arbitrary>], iteration_bounds = array<i64: 8>, scalar_prefetch = 0 : i64, scratch_operands = 0 : i64, tpu.core_type = #tpu.core_type<tc>, window_params = [{transform_indices = @transform_0, window_bounds = array<i64: 256, 1280>}, {transform_indices = @transform_1, window_bounds = array<i64: 256, 1280>}, {transform_indices = @transform_2, window_bounds = array<i64: 256, 128>}, {transform_indices = @transform_3, window_bounds = array<i64: 256, 128>}, {pipeline_mode = #tpu.pipeline_mode<synchronous>, transform_indices = @transform_4, window_bounds = array<i64: 8, 1280, 128>}, {pipeline_mode = #tpu.pipeline_mode<synchronous>, transform_indices = @transform_5, window_bounds = array<i64: 128, 256>}, {pipeline_mode = #tpu.pipeline_mode<synchronous>, transform_indices = @transform_6, window_bounds = array<i64: 1, 256>}, {pipeline_mode = #tpu.pipeline_mode<synchronous>, transform_indices = @transform_7, window_bounds = array<i64: 256, 256>}, {pipeline_mode = #tpu.pipeline_mode<synchronous>, transform_indices = @transform_8, window_bounds = array<i64: 1, 256>}, {pipeline_mode = #tpu.pipeline_mode<synchronous>, transform_indices = @transform_9, window_bounds = array<i64: 128, 256>}, {pipeline_mode = #tpu.pipeline_mode<synchronous>, transform_indices = @transform_10, window_bounds = array<i64: 1, 256>}, {pipeline_mode = #tpu.pipeline_mode<synchronous>, transform_indices = @transform_11, window_bounds = array<i64: 256, 256>}, {pipeline_mode = #tpu.pipeline_mode<synchronous>, transform_indices = @transform_12, window_bounds = array<i64: 1, 256>}, {pipeline_mode = #tpu.pipeline_mode<synchronous>, transform_indices = @transform_13, window_bounds = array<i64: 256, 256>}, {pipeline_mode = #tpu.pipeline_mode<synchronous>, transform_indices = @transform_14, window_bounds = array<i64: 1, 256>}, {pipeline_mode = #tpu.pipeline_mode<synchronous>, transform_indices = @transform_15, window_bounds = array<i64: 256, 256>}, {pipeline_mode = #tpu.pipeline_mode<synchronous>, transform_indices = @transform_16, window_bounds = array<i64: 1, 256>}, {pipeline_mode = #tpu.pipeline_mode<synchronous>, transform_indices = @transform_17, window_bounds = array<i64: 256, 1>}, {pipeline_mode = #tpu.pipeline_mode<synchronous>, transform_indices = @transform_18, window_bounds = array<i64: 1, 1>}, {transform_indices = @transform_19, window_bounds = array<i64: 256, 1>}]} {
    %get3A = arith.constant 0 : index
    %get3A_0 = arith.constant 0 : index
    %get3A_1 = vector.load %arg1[%get3A, %get3A_0] : memref<256x1280xi32, #tpu.memory_space<vmem>>, vector<256x1280xi32>
    %get3A_2 = arith.constant 0 : index
    %get3A_3 = arith.constant 0 : index
    %get3A_4 = vector.load %arg2[%get3A_2, %get3A_3] : memref<256x1280xi32, #tpu.memory_space<vmem>>, vector<256x1280xi32>
    %broadcast_in_dim3A = arith.constant 0.000000e+00 : f32
    %broadcast_in_dim3A_5 = vector.broadcast %broadcast_in_dim3A : f32 to vector<256x128xf32>
    %shift_right_arithmetic3A = arith.constant 0 : i32
    %shift_right_arithmetic3A_6 = vector.broadcast %shift_right_arithmetic3A : i32 to vector<256x1280xi32>
    %shift_right_arithmetic3A_7 = arith.shrsi %get3A_1, %shift_right_arithmetic3A_6 : vector<256x1280xi32>
    %and3A = arith.constant 15 : i32
    %and3A_8 = vector.broadcast %and3A : i32 to vector<256x1280xi32>
    %and3A_9 = arith.andi %shift_right_arithmetic3A_7, %and3A_8 : vector<256x1280xi32>
    %gt3A = arith.constant 0 : i32
    %gt3A_10 = vector.broadcast %gt3A : i32 to vector<256x1280xi32>
    %gt3A_11 = arith.cmpi sgt, %and3A_9, %gt3A_10 : vector<256x1280xi32>
    %shift_right_arithmetic3A_12 = arith.constant 0 : i32
    %shift_right_arithmetic3A_13 = vector.broadcast %shift_right_arithmetic3A_12 : i32 to vector<256x1280xi32>
    %shift_right_arithmetic3A_14 = arith.shrsi %get3A_4, %shift_right_arithmetic3A_13 : vector<256x1280xi32>
    %and3A_15 = arith.constant 15 : i32
    %and3A_16 = vector.broadcast %and3A_15 : i32 to vector<256x1280xi32>
    %and3A_17 = arith.andi %shift_right_arithmetic3A_14, %and3A_16 : vector<256x1280xi32>
    %gt3A_18 = arith.constant 0 : i32
    %gt3A_19 = vector.broadcast %gt3A_18 : i32 to vector<256x1280xi32>
    %gt3A_20 = arith.cmpi sgt, %and3A_17, %gt3A_19 : vector<256x1280xi32>
    %and3A_21 = arith.andi %gt3A_11, %gt3A_20 : vector<256x1280xi1>
    %convert_element_type3A = arith.extui %and3A_21 : vector<256x1280xi1> to vector<256x1280xi32>
    %convert_element_type3A_22 = arith.sitofp %convert_element_type3A : vector<256x1280xi32> to vector<256x1280xf32>
    %get3A_23 = arith.constant 0 : index
    %get3A_24 = arith.constant 0 : index
    %get3A_25 = arith.constant 0 : index
    %get3A_26 = vector.load %arg5[%get3A_23, %get3A_24, %get3A_25] : memref<8x1280x128xf32, #tpu.memory_space<vmem>>, vector<1x1280x128xf32>
    %get3A_27 = vector.shape_cast %get3A_26 : vector<1x1280x128xf32> to vector<1280x128xf32>
    %dot_general3A = arith.constant dense<0.000000e+00> : vector<256x128xf32>
    %dot_general3A_28 = tpu.matmul %convert_element_type3A_22, %get3A_27, %dot_general3A {dimension_numbers = #tpu.dot_dimension_numbers<[1], [0], [0], [1], [0, 0, 1, 1], [], []>, transpose_lhs_hint = false} : vector<256x1280xf32>, vector<1280x128xf32>, vector<256x128xf32> -> vector<256x128xf32>
    %add3A = arith.addf %broadcast_in_dim3A_5, %dot_general3A_28 : vector<256x128xf32>
    %shift_right_arithmetic3A_29 = arith.constant 4 : i32
    %shift_right_arithmetic3A_30 = vector.broadcast %shift_right_arithmetic3A_29 : i32 to vector<256x1280xi32>
    %shift_right_arithmetic3A_31 = arith.shrsi %get3A_1, %shift_right_arithmetic3A_30 : vector<256x1280xi32>
    %and3A_32 = arith.constant 15 : i32
    %and3A_33 = vector.broadcast %and3A_32 : i32 to vector<256x1280xi32>
    %and3A_34 = arith.andi %shift_right_arithmetic3A_31, %and3A_33 : vector<256x1280xi32>
    %gt3A_35 = arith.constant 0 : i32
    %gt3A_36 = vector.broadcast %gt3A_35 : i32 to vector<256x1280xi32>
    %gt3A_37 = arith.cmpi sgt, %and3A_34, %gt3A_36 : vector<256x1280xi32>
    %shift_right_arithmetic3A_38 = arith.constant 4 : i32
    %shift_right_arithmetic3A_39 = vector.broadcast %shift_right_arithmetic3A_38 : i32 to vector<256x1280xi32>
    %shift_right_arithmetic3A_40 = arith.shrsi %get3A_4, %shift_right_arithmetic3A_39 : vector<256x1280xi32>
    %and3A_41 = arith.constant 15 : i32
    %and3A_42 = vector.broadcast %and3A_41 : i32 to vector<256x1280xi32>
    %and3A_43 = arith.andi %shift_right_arithmetic3A_40, %and3A_42 : vector<256x1280xi32>
    %gt3A_44 = arith.constant 0 : i32
    %gt3A_45 = vector.broadcast %gt3A_44 : i32 to vector<256x1280xi32>
    %gt3A_46 = arith.cmpi sgt, %and3A_43, %gt3A_45 : vector<256x1280xi32>
    %and3A_47 = arith.andi %gt3A_37, %gt3A_46 : vector<256x1280xi1>
    %convert_element_type3A_48 = arith.extui %and3A_47 : vector<256x1280xi1> to vector<256x1280xi32>
    %convert_element_type3A_49 = arith.sitofp %convert_element_type3A_48 : vector<256x1280xi32> to vector<256x1280xf32>
    %get3A_50 = arith.constant 1 : index
    %get3A_51 = arith.constant 0 : index
    %get3A_52 = arith.constant 0 : index
    %get3A_53 = vector.load %arg5[%get3A_50, %get3A_51, %get3A_52] : memref<8x1280x128xf32, #tpu.memory_space<vmem>>, vector<1x1280x128xf32>
    %get3A_54 = vector.shape_cast %get3A_53 : vector<1x1280x128xf32> to vector<1280x128xf32>
    %dot_general3A_55 = arith.constant dense<0.000000e+00> : vector<256x128xf32>
    %dot_general3A_56 = tpu.matmul %convert_element_type3A_49, %get3A_54, %dot_general3A_55 {dimension_numbers = #tpu.dot_dimension_numbers<[1], [0], [0], [1], [0, 0, 1, 1], [], []>, transpose_lhs_hint = false} : vector<256x1280xf32>, vector<1280x128xf32>, vector<256x128xf32> -> vector<256x128xf32>
    %add3A_57 = arith.addf %add3A, %dot_general3A_56 : vector<256x128xf32>
    %shift_right_arithmetic3A_58 = arith.constant 8 : i32
    %shift_right_arithmetic3A_59 = vector.broadcast %shift_right_arithmetic3A_58 : i32 to vector<256x1280xi32>
    %shift_right_arithmetic3A_60 = arith.shrsi %get3A_1, %shift_right_arithmetic3A_59 : vector<256x1280xi32>
    %and3A_61 = arith.constant 15 : i32
    %and3A_62 = vector.broadcast %and3A_61 : i32 to vector<256x1280xi32>
    %and3A_63 = arith.andi %shift_right_arithmetic3A_60, %and3A_62 : vector<256x1280xi32>
    %gt3A_64 = arith.constant 0 : i32
    %gt3A_65 = vector.broadcast %gt3A_64 : i32 to vector<256x1280xi32>
    %gt3A_66 = arith.cmpi sgt, %and3A_63, %gt3A_65 : vector<256x1280xi32>
    %shift_right_arithmetic3A_67 = arith.constant 8 : i32
    %shift_right_arithmetic3A_68 = vector.broadcast %shift_right_arithmetic3A_67 : i32 to vector<256x1280xi32>
    %shift_right_arithmetic3A_69 = arith.shrsi %get3A_4, %shift_right_arithmetic3A_68 : vector<256x1280xi32>
    %and3A_70 = arith.constant 15 : i32
    %and3A_71 = vector.broadcast %and3A_70 : i32 to vector<256x1280xi32>
    %and3A_72 = arith.andi %shift_right_arithmetic3A_69, %and3A_71 : vector<256x1280xi32>
    %gt3A_73 = arith.constant 0 : i32
    %gt3A_74 = vector.broadcast %gt3A_73 : i32 to vector<256x1280xi32>
    %gt3A_75 = arith.cmpi sgt, %and3A_72, %gt3A_74 : vector<256x1280xi32>
    %and3A_76 = arith.andi %gt3A_66, %gt3A_75 : vector<256x1280xi1>
    %convert_element_type3A_77 = arith.extui %and3A_76 : vector<256x1280xi1> to vector<256x1280xi32>
    %convert_element_type3A_78 = arith.sitofp %convert_element_type3A_77 : vector<256x1280xi32> to vector<256x1280xf32>
    %get3A_79 = arith.constant 2 : index
    %get3A_80 = arith.constant 0 : index
    %get3A_81 = arith.constant 0 : index
    %get3A_82 = vector.load %arg5[%get3A_79, %get3A_80, %get3A_81] : memref<8x1280x128xf32, #tpu.memory_space<vmem>>, vector<1x1280x128xf32>
    %get3A_83 = vector.shape_cast %get3A_82 : vector<1x1280x128xf32> to vector<1280x128xf32>
    %dot_general3A_84 = arith.constant dense<0.000000e+00> : vector<256x128xf32>
    %dot_general3A_85 = tpu.matmul %convert_element_type3A_78, %get3A_83, %dot_general3A_84 {dimension_numbers = #tpu.dot_dimension_numbers<[1], [0], [0], [1], [0, 0, 1, 1], [], []>, transpose_lhs_hint = false} : vector<256x1280xf32>, vector<1280x128xf32>, vector<256x128xf32> -> vector<256x128xf32>
    %add3A_86 = arith.addf %add3A_57, %dot_general3A_85 : vector<256x128xf32>
    %shift_right_arithmetic3A_87 = arith.constant 12 : i32
    %shift_right_arithmetic3A_88 = vector.broadcast %shift_right_arithmetic3A_87 : i32 to vector<256x1280xi32>
    %shift_right_arithmetic3A_89 = arith.shrsi %get3A_1, %shift_right_arithmetic3A_88 : vector<256x1280xi32>
    %and3A_90 = arith.constant 15 : i32
    %and3A_91 = vector.broadcast %and3A_90 : i32 to vector<256x1280xi32>
    %and3A_92 = arith.andi %shift_right_arithmetic3A_89, %and3A_91 : vector<256x1280xi32>
    %gt3A_93 = arith.constant 0 : i32
    %gt3A_94 = vector.broadcast %gt3A_93 : i32 to vector<256x1280xi32>
    %gt3A_95 = arith.cmpi sgt, %and3A_92, %gt3A_94 : vector<256x1280xi32>
    %shift_right_arithmetic3A_96 = arith.constant 12 : i32
    %shift_right_arithmetic3A_97 = vector.broadcast %shift_right_arithmetic3A_96 : i32 to vector<256x1280xi32>
    %shift_right_arithmetic3A_98 = arith.shrsi %get3A_4, %shift_right_arithmetic3A_97 : vector<256x1280xi32>
    %and3A_99 = arith.constant 15 : i32
    %and3A_100 = vector.broadcast %and3A_99 : i32 to vector<256x1280xi32>
    %and3A_101 = arith.andi %shift_right_arithmetic3A_98, %and3A_100 : vector<256x1280xi32>
    %gt3A_102 = arith.constant 0 : i32
    %gt3A_103 = vector.broadcast %gt3A_102 : i32 to vector<256x1280xi32>
    %gt3A_104 = arith.cmpi sgt, %and3A_101, %gt3A_103 : vector<256x1280xi32>
    %and3A_105 = arith.andi %gt3A_95, %gt3A_104 : vector<256x1280xi1>
    %convert_element_type3A_106 = arith.extui %and3A_105 : vector<256x1280xi1> to vector<256x1280xi32>
    %convert_element_type3A_107 = arith.sitofp %convert_element_type3A_106 : vector<256x1280xi32> to vector<256x1280xf32>
    %get3A_108 = arith.constant 3 : index
    %get3A_109 = arith.constant 0 : index
    %get3A_110 = arith.constant 0 : index
    %get3A_111 = vector.load %arg5[%get3A_108, %get3A_109, %get3A_110] : memref<8x1280x128xf32, #tpu.memory_space<vmem>>, vector<1x1280x128xf32>
    %get3A_112 = vector.shape_cast %get3A_111 : vector<1x1280x128xf32> to vector<1280x128xf32>
    %dot_general3A_113 = arith.constant dense<0.000000e+00> : vector<256x128xf32>
    %dot_general3A_114 = tpu.matmul %convert_element_type3A_107, %get3A_112, %dot_general3A_113 {dimension_numbers = #tpu.dot_dimension_numbers<[1], [0], [0], [1], [0, 0, 1, 1], [], []>, transpose_lhs_hint = false} : vector<256x1280xf32>, vector<1280x128xf32>, vector<256x128xf32> -> vector<256x128xf32>
    %add3A_115 = arith.addf %add3A_86, %dot_general3A_114 : vector<256x128xf32>
    %shift_right_arithmetic3A_116 = arith.constant 16 : i32
    %shift_right_arithmetic3A_117 = vector.broadcast %shift_right_arithmetic3A_116 : i32 to vector<256x1280xi32>
    %shift_right_arithmetic3A_118 = arith.shrsi %get3A_1, %shift_right_arithmetic3A_117 : vector<256x1280xi32>
    %and3A_119 = arith.constant 15 : i32
    %and3A_120 = vector.broadcast %and3A_119 : i32 to vector<256x1280xi32>
    %and3A_121 = arith.andi %shift_right_arithmetic3A_118, %and3A_120 : vector<256x1280xi32>
    %gt3A_122 = arith.constant 0 : i32
    %gt3A_123 = vector.broadcast %gt3A_122 : i32 to vector<256x1280xi32>
    %gt3A_124 = arith.cmpi sgt, %and3A_121, %gt3A_123 : vector<256x1280xi32>
    %shift_right_arithmetic3A_125 = arith.constant 16 : i32
    %shift_right_arithmetic3A_126 = vector.broadcast %shift_right_arithmetic3A_125 : i32 to vector<256x1280xi32>
    %shift_right_arithmetic3A_127 = arith.shrsi %get3A_4, %shift_right_arithmetic3A_126 : vector<256x1280xi32>
    %and3A_128 = arith.constant 15 : i32
    %and3A_129 = vector.broadcast %and3A_128 : i32 to vector<256x1280xi32>
    %and3A_130 = arith.andi %shift_right_arithmetic3A_127, %and3A_129 : vector<256x1280xi32>
    %gt3A_131 = arith.constant 0 : i32
    %gt3A_132 = vector.broadcast %gt3A_131 : i32 to vector<256x1280xi32>
    %gt3A_133 = arith.cmpi sgt, %and3A_130, %gt3A_132 : vector<256x1280xi32>
    %and3A_134 = arith.andi %gt3A_124, %gt3A_133 : vector<256x1280xi1>
    %convert_element_type3A_135 = arith.extui %and3A_134 : vector<256x1280xi1> to vector<256x1280xi32>
    %convert_element_type3A_136 = arith.sitofp %convert_element_type3A_135 : vector<256x1280xi32> to vector<256x1280xf32>
    %get3A_137 = arith.constant 4 : index
    %get3A_138 = arith.constant 0 : index
    %get3A_139 = arith.constant 0 : index
    %get3A_140 = vector.load %arg5[%get3A_137, %get3A_138, %get3A_139] : memref<8x1280x128xf32, #tpu.memory_space<vmem>>, vector<1x1280x128xf32>
    %get3A_141 = vector.shape_cast %get3A_140 : vector<1x1280x128xf32> to vector<1280x128xf32>
    %dot_general3A_142 = arith.constant dense<0.000000e+00> : vector<256x128xf32>
    %dot_general3A_143 = tpu.matmul %convert_element_type3A_136, %get3A_141, %dot_general3A_142 {dimension_numbers = #tpu.dot_dimension_numbers<[1], [0], [0], [1], [0, 0, 1, 1], [], []>, transpose_lhs_hint = false} : vector<256x1280xf32>, vector<1280x128xf32>, vector<256x128xf32> -> vector<256x128xf32>
    %add3A_144 = arith.addf %add3A_115, %dot_general3A_143 : vector<256x128xf32>
    %shift_right_arithmetic3A_145 = arith.constant 20 : i32
    %shift_right_arithmetic3A_146 = vector.broadcast %shift_right_arithmetic3A_145 : i32 to vector<256x1280xi32>
    %shift_right_arithmetic3A_147 = arith.shrsi %get3A_1, %shift_right_arithmetic3A_146 : vector<256x1280xi32>
    %and3A_148 = arith.constant 15 : i32
    %and3A_149 = vector.broadcast %and3A_148 : i32 to vector<256x1280xi32>
    %and3A_150 = arith.andi %shift_right_arithmetic3A_147, %and3A_149 : vector<256x1280xi32>
    %gt3A_151 = arith.constant 0 : i32
    %gt3A_152 = vector.broadcast %gt3A_151 : i32 to vector<256x1280xi32>
    %gt3A_153 = arith.cmpi sgt, %and3A_150, %gt3A_152 : vector<256x1280xi32>
    %shift_right_arithmetic3A_154 = arith.constant 20 : i32
    %shift_right_arithmetic3A_155 = vector.broadcast %shift_right_arithmetic3A_154 : i32 to vector<256x1280xi32>
    %shift_right_arithmetic3A_156 = arith.shrsi %get3A_4, %shift_right_arithmetic3A_155 : vector<256x1280xi32>
    %and3A_157 = arith.constant 15 : i32
    %and3A_158 = vector.broadcast %and3A_157 : i32 to vector<256x1280xi32>
    %and3A_159 = arith.andi %shift_right_arithmetic3A_156, %and3A_158 : vector<256x1280xi32>
    %gt3A_160 = arith.constant 0 : i32
    %gt3A_161 = vector.broadcast %gt3A_160 : i32 to vector<256x1280xi32>
    %gt3A_162 = arith.cmpi sgt, %and3A_159, %gt3A_161 : vector<256x1280xi32>
    %and3A_163 = arith.andi %gt3A_153, %gt3A_162 : vector<256x1280xi1>
    %convert_element_type3A_164 = arith.extui %and3A_163 : vector<256x1280xi1> to vector<256x1280xi32>
    %convert_element_type3A_165 = arith.sitofp %convert_element_type3A_164 : vector<256x1280xi32> to vector<256x1280xf32>
    %get3A_166 = arith.constant 5 : index
    %get3A_167 = arith.constant 0 : index
    %get3A_168 = arith.constant 0 : index
    %get3A_169 = vector.load %arg5[%get3A_166, %get3A_167, %get3A_168] : memref<8x1280x128xf32, #tpu.memory_space<vmem>>, vector<1x1280x128xf32>
    %get3A_170 = vector.shape_cast %get3A_169 : vector<1x1280x128xf32> to vector<1280x128xf32>
    %dot_general3A_171 = arith.constant dense<0.000000e+00> : vector<256x128xf32>
    %dot_general3A_172 = tpu.matmul %convert_element_type3A_165, %get3A_170, %dot_general3A_171 {dimension_numbers = #tpu.dot_dimension_numbers<[1], [0], [0], [1], [0, 0, 1, 1], [], []>, transpose_lhs_hint = false} : vector<256x1280xf32>, vector<1280x128xf32>, vector<256x128xf32> -> vector<256x128xf32>
    %add3A_173 = arith.addf %add3A_144, %dot_general3A_172 : vector<256x128xf32>
    %shift_right_arithmetic3A_174 = arith.constant 24 : i32
    %shift_right_arithmetic3A_175 = vector.broadcast %shift_right_arithmetic3A_174 : i32 to vector<256x1280xi32>
    %shift_right_arithmetic3A_176 = arith.shrsi %get3A_1, %shift_right_arithmetic3A_175 : vector<256x1280xi32>
    %and3A_177 = arith.constant 15 : i32
    %and3A_178 = vector.broadcast %and3A_177 : i32 to vector<256x1280xi32>
    %and3A_179 = arith.andi %shift_right_arithmetic3A_176, %and3A_178 : vector<256x1280xi32>
    %gt3A_180 = arith.constant 0 : i32
    %gt3A_181 = vector.broadcast %gt3A_180 : i32 to vector<256x1280xi32>
    %gt3A_182 = arith.cmpi sgt, %and3A_179, %gt3A_181 : vector<256x1280xi32>
    %shift_right_arithmetic3A_183 = arith.constant 24 : i32
    %shift_right_arithmetic3A_184 = vector.broadcast %shift_right_arithmetic3A_183 : i32 to vector<256x1280xi32>
    %shift_right_arithmetic3A_185 = arith.shrsi %get3A_4, %shift_right_arithmetic3A_184 : vector<256x1280xi32>
    %and3A_186 = arith.constant 15 : i32
    %and3A_187 = vector.broadcast %and3A_186 : i32 to vector<256x1280xi32>
    %and3A_188 = arith.andi %shift_right_arithmetic3A_185, %and3A_187 : vector<256x1280xi32>
    %gt3A_189 = arith.constant 0 : i32
    %gt3A_190 = vector.broadcast %gt3A_189 : i32 to vector<256x1280xi32>
    %gt3A_191 = arith.cmpi sgt, %and3A_188, %gt3A_190 : vector<256x1280xi32>
    %and3A_192 = arith.andi %gt3A_182, %gt3A_191 : vector<256x1280xi1>
    %convert_element_type3A_193 = arith.extui %and3A_192 : vector<256x1280xi1> to vector<256x1280xi32>
    %convert_element_type3A_194 = arith.sitofp %convert_element_type3A_193 : vector<256x1280xi32> to vector<256x1280xf32>
    %get3A_195 = arith.constant 6 : index
    %get3A_196 = arith.constant 0 : index
    %get3A_197 = arith.constant 0 : index
    %get3A_198 = vector.load %arg5[%get3A_195, %get3A_196, %get3A_197] : memref<8x1280x128xf32, #tpu.memory_space<vmem>>, vector<1x1280x128xf32>
    %get3A_199 = vector.shape_cast %get3A_198 : vector<1x1280x128xf32> to vector<1280x128xf32>
    %dot_general3A_200 = arith.constant dense<0.000000e+00> : vector<256x128xf32>
    %dot_general3A_201 = tpu.matmul %convert_element_type3A_194, %get3A_199, %dot_general3A_200 {dimension_numbers = #tpu.dot_dimension_numbers<[1], [0], [0], [1], [0, 0, 1, 1], [], []>, transpose_lhs_hint = false} : vector<256x1280xf32>, vector<1280x128xf32>, vector<256x128xf32> -> vector<256x128xf32>
    %add3A_202 = arith.addf %add3A_173, %dot_general3A_201 : vector<256x128xf32>
    %shift_right_arithmetic3A_203 = arith.constant 28 : i32
    %shift_right_arithmetic3A_204 = vector.broadcast %shift_right_arithmetic3A_203 : i32 to vector<256x1280xi32>
    %shift_right_arithmetic3A_205 = arith.shrsi %get3A_1, %shift_right_arithmetic3A_204 : vector<256x1280xi32>
    %and3A_206 = arith.constant 15 : i32
    %and3A_207 = vector.broadcast %and3A_206 : i32 to vector<256x1280xi32>
    %and3A_208 = arith.andi %shift_right_arithmetic3A_205, %and3A_207 : vector<256x1280xi32>
    %gt3A_209 = arith.constant 0 : i32
    %gt3A_210 = vector.broadcast %gt3A_209 : i32 to vector<256x1280xi32>
    %gt3A_211 = arith.cmpi sgt, %and3A_208, %gt3A_210 : vector<256x1280xi32>
    %shift_right_arithmetic3A_212 = arith.constant 28 : i32
    %shift_right_arithmetic3A_213 = vector.broadcast %shift_right_arithmetic3A_212 : i32 to vector<256x1280xi32>
    %shift_right_arithmetic3A_214 = arith.shrsi %get3A_4, %shift_right_arithmetic3A_213 : vector<256x1280xi32>
    %and3A_215 = arith.constant 15 : i32
    %and3A_216 = vector.broadcast %and3A_215 : i32 to vector<256x1280xi32>
    %and3A_217 = arith.andi %shift_right_arithmetic3A_214, %and3A_216 : vector<256x1280xi32>
    %gt3A_218 = arith.constant 0 : i32
    %gt3A_219 = vector.broadcast %gt3A_218 : i32 to vector<256x1280xi32>
    %gt3A_220 = arith.cmpi sgt, %and3A_217, %gt3A_219 : vector<256x1280xi32>
    %and3A_221 = arith.andi %gt3A_211, %gt3A_220 : vector<256x1280xi1>
    %convert_element_type3A_222 = arith.extui %and3A_221 : vector<256x1280xi1> to vector<256x1280xi32>
    %convert_element_type3A_223 = arith.sitofp %convert_element_type3A_222 : vector<256x1280xi32> to vector<256x1280xf32>
    %get3A_224 = arith.constant 7 : index
    %get3A_225 = arith.constant 0 : index
    %get3A_226 = arith.constant 0 : index
    %get3A_227 = vector.load %arg5[%get3A_224, %get3A_225, %get3A_226] : memref<8x1280x128xf32, #tpu.memory_space<vmem>>, vector<1x1280x128xf32>
    %get3A_228 = vector.shape_cast %get3A_227 : vector<1x1280x128xf32> to vector<1280x128xf32>
    %dot_general3A_229 = arith.constant dense<0.000000e+00> : vector<256x128xf32>
    %dot_general3A_230 = tpu.matmul %convert_element_type3A_223, %get3A_228, %dot_general3A_229 {dimension_numbers = #tpu.dot_dimension_numbers<[1], [0], [0], [1], [0, 0, 1, 1], [], []>, transpose_lhs_hint = false} : vector<256x1280xf32>, vector<1280x128xf32>, vector<256x128xf32> -> vector<256x128xf32>
    %add3A_231 = arith.addf %add3A_202, %dot_general3A_230 : vector<256x128xf32>
    %get3A_232 = arith.constant 0 : index
    %get3A_233 = arith.constant 0 : index
    %get3A_234 = vector.load %arg6[%get3A_232, %get3A_233] : memref<128x256xf32, #tpu.memory_space<vmem>>, vector<128x256xf32>
    %dot_general3A_235 = arith.constant dense<0.000000e+00> : vector<256x256xf32>
    %dot_general3A_236 = tpu.matmul %add3A_231, %get3A_234, %dot_general3A_235 {dimension_numbers = #tpu.dot_dimension_numbers<[1], [0], [0], [1], [0, 0, 1, 1], [], []>, transpose_lhs_hint = false} : vector<256x128xf32>, vector<128x256xf32>, vector<256x256xf32> -> vector<256x256xf32>
    %get3A_237 = arith.constant 0 : index
    %get3A_238 = arith.constant 0 : index
    %get3A_239 = vector.load %arg7[%get3A_237, %get3A_238] : memref<1x256xf32, #tpu.memory_space<vmem>>, vector<1x256xf32>
    %add3A_240 = vector.broadcast %get3A_239 : vector<1x256xf32> to vector<256x256xf32>
    %add3A_241 = arith.addf %dot_general3A_236, %add3A_240 : vector<256x256xf32>
    %max3A = arith.constant 0.000000e+00 : f32
    %max3A_242 = vector.broadcast %max3A : f32 to vector<256x256xf32>
    %max3A_243 = arith.maximumf %add3A_241, %max3A_242 : vector<256x256xf32>
    %get3A_244 = arith.constant 0 : index
    %get3A_245 = arith.constant 0 : index
    %get3A_246 = vector.load %arg8[%get3A_244, %get3A_245] : memref<256x256xf32, #tpu.memory_space<vmem>>, vector<256x256xf32>
    %dot_general3A_247 = arith.constant dense<0.000000e+00> : vector<256x256xf32>
    %dot_general3A_248 = tpu.matmul %max3A_243, %get3A_246, %dot_general3A_247 {dimension_numbers = #tpu.dot_dimension_numbers<[1], [0], [0], [1], [0, 0, 1, 1], [], []>, transpose_lhs_hint = false} : vector<256x256xf32>, vector<256x256xf32>, vector<256x256xf32> -> vector<256x256xf32>
    %get3A_249 = arith.constant 0 : index
    %get3A_250 = arith.constant 0 : index
    %get3A_251 = vector.load %arg9[%get3A_249, %get3A_250] : memref<1x256xf32, #tpu.memory_space<vmem>>, vector<1x256xf32>
    %add3A_252 = vector.broadcast %get3A_251 : vector<1x256xf32> to vector<256x256xf32>
    %add3A_253 = arith.addf %dot_general3A_248, %add3A_252 : vector<256x256xf32>
    %get3A_254 = arith.constant 0 : index
    %get3A_255 = arith.constant 0 : index
    %get3A_256 = vector.load %arg3[%get3A_254, %get3A_255] : memref<256x128xf32, #tpu.memory_space<vmem>>, vector<256x128xf32>
    %get3A_257 = arith.constant 0 : index
    %get3A_258 = arith.constant 0 : index
    %get3A_259 = vector.load %arg4[%get3A_257, %get3A_258] : memref<256x128xf32, #tpu.memory_space<vmem>>, vector<256x128xf32>
    %mul3A = arith.mulf %get3A_256, %get3A_259 : vector<256x128xf32>
    %get3A_260 = arith.constant 0 : index
    %get3A_261 = arith.constant 0 : index
    %get3A_262 = vector.load %arg10[%get3A_260, %get3A_261] : memref<128x256xf32, #tpu.memory_space<vmem>>, vector<128x256xf32>
    %dot_general3A_263 = arith.constant dense<0.000000e+00> : vector<256x256xf32>
    %dot_general3A_264 = tpu.matmul %mul3A, %get3A_262, %dot_general3A_263 {dimension_numbers = #tpu.dot_dimension_numbers<[1], [0], [0], [1], [0, 0, 1, 1], [], []>, transpose_lhs_hint = false} : vector<256x128xf32>, vector<128x256xf32>, vector<256x256xf32> -> vector<256x256xf32>
    %get3A_265 = arith.constant 0 : index
    %get3A_266 = arith.constant 0 : index
    %get3A_267 = vector.load %arg11[%get3A_265, %get3A_266] : memref<1x256xf32, #tpu.memory_space<vmem>>, vector<1x256xf32>
    %add3A_268 = vector.broadcast %get3A_267 : vector<1x256xf32> to vector<256x256xf32>
    %add3A_269 = arith.addf %dot_general3A_264, %add3A_268 : vector<256x256xf32>
    %max3A_270 = arith.constant 0.000000e+00 : f32
    %max3A_271 = vector.broadcast %max3A_270 : f32 to vector<256x256xf32>
    %max3A_272 = arith.maximumf %add3A_269, %max3A_271 : vector<256x256xf32>
    %get3A_273 = arith.constant 0 : index
    %get3A_274 = arith.constant 0 : index
    %get3A_275 = vector.load %arg12[%get3A_273, %get3A_274] : memref<256x256xf32, #tpu.memory_space<vmem>>, vector<256x256xf32>
    %dot_general3A_276 = arith.constant dense<0.000000e+00> : vector<256x256xf32>
    %dot_general3A_277 = tpu.matmul %max3A_272, %get3A_275, %dot_general3A_276 {dimension_numbers = #tpu.dot_dimension_numbers<[1], [0], [0], [1], [0, 0, 1, 1], [], []>, transpose_lhs_hint = false} : vector<256x256xf32>, vector<256x256xf32>, vector<256x256xf32> -> vector<256x256xf32>
    %get3A_278 = arith.constant 0 : index
    %get3A_279 = arith.constant 0 : index
    %get3A_280 = vector.load %arg13[%get3A_278, %get3A_279] : memref<1x256xf32, #tpu.memory_space<vmem>>, vector<1x256xf32>
    %add3A_281 = vector.broadcast %get3A_280 : vector<1x256xf32> to vector<256x256xf32>
    %add3A_282 = arith.addf %dot_general3A_277, %add3A_281 : vector<256x256xf32>
    %add3A_283 = arith.addf %add3A_253, %add3A_282 : vector<256x256xf32>
    %get3A_284 = arith.constant 0 : index
    %get3A_285 = arith.constant 0 : index
    %get3A_286 = vector.load %arg14[%get3A_284, %get3A_285] : memref<256x256xf32, #tpu.memory_space<vmem>>, vector<256x256xf32>
    %dot_general3A_287 = arith.constant dense<0.000000e+00> : vector<256x256xf32>
    %dot_general3A_288 = tpu.matmul %add3A_283, %get3A_286, %dot_general3A_287 {dimension_numbers = #tpu.dot_dimension_numbers<[1], [0], [0], [1], [0, 0, 1, 1], [], []>, transpose_lhs_hint = false} : vector<256x256xf32>, vector<256x256xf32>, vector<256x256xf32> -> vector<256x256xf32>
    %get3A_289 = arith.constant 0 : index
    %get3A_290 = arith.constant 0 : index
    %get3A_291 = vector.load %arg15[%get3A_289, %get3A_290] : memref<1x256xf32, #tpu.memory_space<vmem>>, vector<1x256xf32>
    %add3A_292 = vector.broadcast %get3A_291 : vector<1x256xf32> to vector<256x256xf32>
    %add3A_293 = arith.addf %dot_general3A_288, %add3A_292 : vector<256x256xf32>
    %max3A_294 = arith.constant 0.000000e+00 : f32
    %max3A_295 = vector.broadcast %max3A_294 : f32 to vector<256x256xf32>
    %max3A_296 = arith.maximumf %add3A_293, %max3A_295 : vector<256x256xf32>
    %get3A_297 = arith.constant 0 : index
    %get3A_298 = arith.constant 0 : index
    %get3A_299 = vector.load %arg16[%get3A_297, %get3A_298] : memref<256x256xf32, #tpu.memory_space<vmem>>, vector<256x256xf32>
    %dot_general3A_300 = arith.constant dense<0.000000e+00> : vector<256x256xf32>
    %dot_general3A_301 = tpu.matmul %max3A_296, %get3A_299, %dot_general3A_300 {dimension_numbers = #tpu.dot_dimension_numbers<[1], [0], [0], [1], [0, 0, 1, 1], [], []>, transpose_lhs_hint = false} : vector<256x256xf32>, vector<256x256xf32>, vector<256x256xf32> -> vector<256x256xf32>
    %get3A_302 = arith.constant 0 : index
    %get3A_303 = arith.constant 0 : index
    %get3A_304 = vector.load %arg17[%get3A_302, %get3A_303] : memref<1x256xf32, #tpu.memory_space<vmem>>, vector<1x256xf32>
    %add3A_305 = vector.broadcast %get3A_304 : vector<1x256xf32> to vector<256x256xf32>
    %add3A_306 = arith.addf %dot_general3A_301, %add3A_305 : vector<256x256xf32>
    %max3A_307 = arith.constant 0.000000e+00 : f32
    %max3A_308 = vector.broadcast %max3A_307 : f32 to vector<256x256xf32>
    %max3A_309 = arith.maximumf %add3A_306, %max3A_308 : vector<256x256xf32>
    %get3A_310 = arith.constant 0 : index
    %get3A_311 = arith.constant 0 : index
    %get3A_312 = vector.load %arg18[%get3A_310, %get3A_311] : memref<256x1xf32, #tpu.memory_space<vmem>>, vector<256x1xf32>
    %dot_general3A_313 = arith.constant dense<0.000000e+00> : vector<256x1xf32>
    %dot_general3A_314 = tpu.matmul %max3A_309, %get3A_312, %dot_general3A_313 {dimension_numbers = #tpu.dot_dimension_numbers<[1], [0], [0], [1], [0, 0, 1, 1], [], []>, transpose_lhs_hint = false} : vector<256x256xf32>, vector<256x1xf32>, vector<256x1xf32> -> vector<256x1xf32>
    %get3A_315 = arith.constant 0 : index
    %get3A_316 = arith.constant 0 : index
    %get3A_317 = vector.load %arg19[%get3A_315, %get3A_316] : memref<1x1xf32, #tpu.memory_space<vmem>>, vector<1x1xf32>
    %add3A_318 = vector.broadcast %get3A_317 : vector<1x1xf32> to vector<256x1xf32>
    %add3A_319 = arith.addf %dot_general3A_314, %add3A_318 : vector<256x1xf32>
    %swap3A = arith.constant 0 : index
    %swap3A_320 = arith.constant 0 : index
    %swap3A_321 = vector.load %arg20[%swap3A, %swap3A_320] : memref<256x1xf32, #tpu.memory_space<vmem>>, vector<256x1xf32>
    tpu.vector_store %arg20[%swap3A, %swap3A_320], %add3A_319 {strides = array<i32>} : memref<256x1xf32, #tpu.memory_space<vmem>>, vector<256x1xf32>,
    return
  }
  func.func @transform_0(%arg0: i32) -> (i32, i32) {
    %c0_i32 = arith.constant 0 : i32
    %c0_i32_0 = arith.constant 0 : i32
    return %arg0, %c0_i32 : i32, i32
  }
  func.func @transform_1(%arg0: i32) -> (i32, i32) {
    %c0_i32 = arith.constant 0 : i32
    %c0_i32_0 = arith.constant 0 : i32
    return %arg0, %c0_i32 : i32, i32
  }
  func.func @transform_2(%arg0: i32) -> (i32, i32) {
    %c0_i32 = arith.constant 0 : i32
    %c0_i32_0 = arith.constant 0 : i32
    return %arg0, %c0_i32 : i32, i32
  }
  func.func @transform_3(%arg0: i32) -> (i32, i32) {
    %c0_i32 = arith.constant 0 : i32
    %c0_i32_0 = arith.constant 0 : i32
    return %arg0, %c0_i32 : i32, i32
  }
  func.func @transform_4(%arg0: i32) -> (i32, i32, i32) {
    %c0_i32 = arith.constant 0 : i32
    %c0_i32_0 = arith.constant 0 : i32
    %c0_i32_1 = arith.constant 0 : i32
    %c0_i32_2 = arith.constant 0 : i32
    return %c0_i32, %c0_i32_0, %c0_i32_1 : i32, i32, i32
  }
  func.func @transform_5(%arg0: i32) -> (i32, i32) {
    %c0_i32 = arith.constant 0 : i32
    %c0_i32_0 = arith.constant 0 : i32
    %c0_i32_1 = arith.constant 0 : i32
    return %c0_i32, %c0_i32_0 : i32, i32
  }
  func.func @transform_6(%arg0: i32) -> (i32, i32) {
    %c0_i32 = arith.constant 0 : i32
    %c0_i32_0 = arith.constant 0 : i32
    %c0_i32_1 = arith.constant 0 : i32
    return %c0_i32, %c0_i32_0 : i32, i32
  }
  func.func @transform_7(%arg0: i32) -> (i32, i32) {
    %c0_i32 = arith.constant 0 : i32
    %c0_i32_0 = arith.constant 0 : i32
    %c0_i32_1 = arith.constant 0 : i32
    return %c0_i32, %c0_i32_0 : i32, i32
  }
  func.func @transform_8(%arg0: i32) -> (i32, i32) {
    %c0_i32 = arith.constant 0 : i32
    %c0_i32_0 = arith.constant 0 : i32
    %c0_i32_1 = arith.constant 0 : i32
    return %c0_i32, %c0_i32_0 : i32, i32
  }
  func.func @transform_9(%arg0: i32) -> (i32, i32) {
    %c0_i32 = arith.constant 0 : i32
    %c0_i32_0 = arith.constant 0 : i32
    %c0_i32_1 = arith.constant 0 : i32
    return %c0_i32, %c0_i32_0 : i32, i32
  }
  func.func @transform_10(%arg0: i32) -> (i32, i32) {
    %c0_i32 = arith.constant 0 : i32
    %c0_i32_0 = arith.constant 0 : i32
    %c0_i32_1 = arith.constant 0 : i32
    return %c0_i32, %c0_i32_0 : i32, i32
  }
  func.func @transform_11(%arg0: i32) -> (i32, i32) {
    %c0_i32 = arith.constant 0 : i32
    %c0_i32_0 = arith.constant 0 : i32
    %c0_i32_1 = arith.constant 0 : i32
    return %c0_i32, %c0_i32_0 : i32, i32
  }
  func.func @transform_12(%arg0: i32) -> (i32, i32) {
    %c0_i32 = arith.constant 0 : i32
    %c0_i32_0 = arith.constant 0 : i32
    %c0_i32_1 = arith.constant 0 : i32
    return %c0_i32, %c0_i32_0 : i32, i32
  }
  func.func @transform_13(%arg0: i32) -> (i32, i32) {
    %c0_i32 = arith.constant 0 : i32
    %c0_i32_0 = arith.constant 0 : i32
    %c0_i32_1 = arith.constant 0 : i32
    return %c0_i32, %c0_i32_0 : i32, i32
  }
  func.func @transform_14(%arg0: i32) -> (i32, i32) {
    %c0_i32 = arith.constant 0 : i32
    %c0_i32_0 = arith.constant 0 : i32
    %c0_i32_1 = arith.constant 0 : i32
    return %c0_i32, %c0_i32_0 : i32, i32
  }
  func.func @transform_15(%arg0: i32) -> (i32, i32) {
    %c0_i32 = arith.constant 0 : i32
    %c0_i32_0 = arith.constant 0 : i32
    %c0_i32_1 = arith.constant 0 : i32
    return %c0_i32, %c0_i32_0 : i32, i32
  }
  func.func @transform_16(%arg0: i32) -> (i32, i32) {
    %c0_i32 = arith.constant 0 : i32
    %c0_i32_0 = arith.constant 0 : i32
    %c0_i32_1 = arith.constant 0 : i32
    return %c0_i32, %c0_i32_0 : i32, i32
  }
  func.func @transform_17(%arg0: i32) -> (i32, i32) {
    %c0_i32 = arith.constant 0 : i32
    %c0_i32_0 = arith.constant 0 : i32
    %c0_i32_1 = arith.constant 0 : i32
    return %c0_i32, %c0_i32_0 : i32, i32
  }
  func.func @transform_18(%arg0: i32) -> (i32, i32) {
    %c0_i32 = arith.constant 0 : i32
    %c0_i32_0 = arith.constant 0 : i32
    %c0_i32_1 = arith.constant 0 : i32
    return %c0_i32, %c0_i32_0 : i32, i32
  }
  func.func @transform_19(%arg0: i32) -> (i32, i32) {
    %c0_i32 = arith.constant 0 : i32
    %c0_i32_0 = arith.constant 0 : i32
    return %arg0, %c0_i32 : i32, i32
  }
}

</mosaic_0001>

<sc_bundles>
// kernel: gather_offload_async_start.1
scs
__scs_entry_jumppad:
0x0: {  	(pc) =	sbr.rel $0x88, $3  }
0x1: {  	(tag) =	ssettag $0x0;
	lr =	simm.s32 $0x1  }
0x2: {  	[smem:$0x3F90] =	sst lr;
	_ =	strace $0xD0000000  }
0x3: {  	_ = 	snop  }
0x4: {  	_ = 	snop  }
0x5: {  	_ = 	snop  }
0x6: {  	_ = 	snop  }
0x7: {  	_ = 	snop  }
__scs_overlays_trampoline_lowered:
0x8: {  	[smem:$0x3F9F] =	sst s0  }
0x9: {  	[smem:$0x3FA0] =	sst s1  }
0xa: {  	[smem:$0x3FA1] =	sst s2  }
0xb: {  	[smem:$0x3FA2] =	sst s3  }
0xc: {  	[smem:$0x3FA3] =	sst s4  }
0xd: {  	[smem:$0x3FA4] =	sst s5  }
0xe: {  	[smem:$0x3FA5] =	sst s6  }
0xf: {  	[smem:$0x3FA6] =	sst s7  }
0x10: {  	[smem:$0x3FA7] =	sst s8  }
0x11: {  	[smem:$0x3FA8] =	sst s9;
	s0 =	simm.s32 @!p0 $0x0  }
0x12: {  	s1 =	sld [smem:$0x3F8E];
	s0 =	simm.s32 @p0 $0x1  }
0x13: {  	[smem:$0x3FA9] =	sst s0;
	s0 =	simm.s32 @!p1 $0x0  }
0x14: {  	s2 =	sld [smem:$0x3F8D];
	s0 =	simm.s32 @p1 $0x1  }
0x15: {  	[smem:$0x3FAA] =	sst s0;
	s0 =	simm.s32 @!p2 $0x0  }
0x16: {  	s3 =	sld [smem:$0x3FDB];
	s0 =	simm.s32 @p2 $0x1  }
0x17: {  	s4 =	simm.s32 $0x1BF5;
	[smem:$0x3FAC] =	sst s0  }
0x18: {  	s0 =	sld [smem:$0x3F8F];
	_ =	swait.ge [sflag:s4], $0x0  }
0x19: {  	s7 =	sld [smem:$0x3F90]  }
0x1a: {  	s8 =	sadd.s32 $0xFFFFE003, lr  }
0x1b: {  	s9 =	sadd.s32 $0xFFFFFEF7, lr;
	s5 =	simm.s32 $0xFFFFFFFF;
	p2 =	slt.u32 s8, $0xFFFFF086  }
0x1c: {  	p1 =	slt.u32 s9, $0xF7A;
	s5 =	simm.s32 @!p2 $0x0  }
0x1d: {  	s5 =	simm.s32 @p1 $0x1;
	p0 =	seq.s32 s7, s2  }
0x1e: {  	s7 =	smul.u32 @!p0 $0xF7A, s2;
	p2 =	seq.s32 @!p0 s5, $0x0  }
0x1f: {  	s9 =	smul.u32 $0xF7A, s1;
	s8 =	simm.s32 @!p0 $0x1BF5;
	p2 =	por !p2, p0  }
0x20: {  	[sflag:s8] =	ssyncset.s32 @!p0 $0xFFFFF086;
	s6 =	sadd.s32 @!p0 s3, s7;
	s7 =	simm.s32 @!p0 $0x108  }
0x21: {  	s3 =	sadd.s32 s3, s9;
	s6 =	sadd.s32 @!p0 $0x88, s6;
	s7 =	simm.s32 @p2 $0x1082  }
0x22: {  	[simem:s7], [sflag:s8] =	dma.local @!p0 [hbm:s6], $0xF7A  }
0x23: {  	s9 =	sor.u32 $0xD0000000, s2;
	s6 =	simm.s32 $0x108;
	_ =	swait.ge @!p0 [sflag:s8], $0x0  }
0x24: {  	s3 =	sadd.s32 $0x88, s3;
	s6 =	simm.s32 @!p1 $0x1082;
	[sflag:s4] =	ssyncset.s32 $0xFFFFF086  }
0x25: {  	[simem:s6], [sflag:s4] =	dma.local [hbm:s3], $0xF7A  }
0x26: {  	[smem:$0x3F90] =	sst s1;
	(tag) =	ssettag s2;
	_ =	strace s9  }
0x27: {  	s1 =	sld [smem:$0x3FA0]  }
0x28: {  	s2 =	sld [smem:$0x3FA1]  }
0x29: {  	s4 =	sld [smem:$0x3FA3]  }
0x2a: {  	p0 =	seq.s32 s5, $0x0;
	s5 =	sld [smem:$0x3FA4]  }
0x2b: {  	s6 =	sld [smem:$0x3FA5]  }
0x2c: {  	s7 =	sld [smem:$0x3FA6]  }
0x2d: {  	s3 =	simm.s32 $0x108;
	s8 =	sld [smem:$0x3FA7]  }
0x2e: {  	s3 =	simm.s32 @!p0 $0x1082;
	s9 =	sld [smem:$0x3FA8]  }
0x2f: {  	lr =	sadd.s32 s0, s3;
	s0 =	sld [smem:$0x3F9F]  }
0x30: {  	s3 =	sld [smem:$0x3FA2]  }
0x31: {  	[smem:$0x3FAB] =	sst s10  }
0x32: {  	s10 =	sld [smem:$0x3FA9];
	_ =	sdelay $0x3  }
0x33: {  	p0 =	seq.s32 s10, $0x1;
	s10 =	sld [smem:$0x3FAB];
	_ =	sdelay $0x3  }
0x34: {  	[smem:$0x3FAB] =	sst s10  }
0x35: {  	s10 =	sld [smem:$0x3FAA];
	_ =	sdelay $0x3  }
0x36: {  	p1 =	seq.s32 s10, $0x1;
	s10 =	sld [smem:$0x3FAB];
	_ =	sdelay $0x3  }
0x37: {  	[smem:$0x3FAB] =	sst s10  }
0x38: {  	s10 =	sld [smem:$0x3FAC]  }
0x39: {  	_ = 	snop;
	(pc) =	sbr.ind lr, $3  }
0x3a: {  	_ = 	snop  }
0x3b: {  	_ = 	snop  }
0x3c: {  	p2 =	seq.s32 s10, $0x1;
	s10 =	sld [smem:$0x3FAB]  }
0x3d: {  	_ =	shalt  }
0x3e: {  	_ =	shalt  }
0x3f: {  	_ =	shalt  }
0x40: {  	_ =	shalt  }
0x41: {  	_ =	shalt  }
0x42: {  	_ =	shalt  }
0x43: {  	_ =	shalt  }
0x44: {  	_ =	shalt  }
0x45: {  	_ =	shalt  }
0x46: {  	_ =	shalt  }
0x47: {  	_ =	shalt  }
0x48: {  	_ =	shalt  }
0x49: {  	_ =	shalt  }
0x4a: {  	_ =	shalt  }
0x4b: {  	_ =	shalt  }
0x4c: {  	_ =	shalt  }
0x4d: {  	_ =	shalt  }
0x4e: {  	_ =	shalt  }
0x4f: {  	_ =	shalt  }
0x50: {  	_ =	shalt  }
0x51: {  	_ =	shalt  }
0x52: {  	_ =	shalt  }
0x53: {  	_ =	shalt  }
0x54: {  	_ =	shalt  }
0x55: {  	_ =	shalt  }
0x56: {  	_ =	shalt  }
0x57: {  	_ =	shalt  }
0x58: {  	_ =	shalt  }
0x59: {  	_ =	shalt  }
0x5a: {  	_ =	shalt  }
0x5b: {  	_ =	shalt  }
0x5c: {  	_ =	shalt  }
0x5d: {  	_ =	shalt  }
0x5e: {  	_ =	shalt  }
0x5f: {  	_ =	shalt  }
0x60: {  	_ =	shalt  }
0x61: {  	_ =	shalt  }
0x62: {  	_ =	shalt  }
0x63: {  	_ =	shalt  }
0x64: {  	_ =	shalt  }
0x65: {  	_ =	shalt  }
0x66: {  	_ =	shalt  }
0x67: {  	_ =	shalt  }
0x68: {  	_ =	shalt  }
0x69: {  	_ =	shalt  }
0x6a: {  	_ =	shalt  }
0x6b: {  	_ =	shalt  }
0x6c: {  	_ =	shalt  }
0x6d: {  	_ =	shalt  }
0x6e: {  	_ =	shalt  }
0x6f: {  	_ =	shalt  }
0x70: {  	_ =	shalt  }
0x71: {  	_ =	shalt  }
0x72: {  	_ =	shalt  }
0x73: {  	_ =	shalt  }
0x74: {  	_ =	shalt  }
0x75: {  	_ =	shalt  }
0x76: {  	_ =	shalt  }
0x77: {  	_ =	shalt  }
0x78: {  	_ =	shalt  }
0x79: {  	_ =	shalt  }
0x7a: {  	_ =	shalt  }
0x7b: {  	_ =	shalt  }
0x7c: {  	_ =	shalt  }
0x7d: {  	_ =	shalt  }
0x7e: {  	_ =	shalt  }
0x7f: {  	_ =	shalt  }
0x80: {  	_ =	shalt  }
0x81: {  	_ =	shalt  }
0x82: {  	_ =	shalt  }
0x83: {  	_ =	shalt  }
0x84: {  	_ =	shalt  }
0x85: {  	_ =	shalt  }
0x86: {  	_ =	shalt  }
0x87: {  	_ =	shalt  }
.Lfunc_end0:
.L_simem_size_0:
called_computation.2_lowered:
.L_overlay_start_0:
0x88: {  	s2 =	sld [smem:$0x3FD9]  }
0x89: {  	s3 =	sld [smem:$0x3FFE];
	_ =	sdelay $0x1  }
0x8a: {  	s1 =	srdreg.scid  }
0x8b: {  	s0 =	sand.u32 $0x1, s1  }
0x8c: {  	s17 =	sshll.u32 s0, $0xA;
	s2 =	sadd.s32 s3, s2  }
0x8d: {  	s2 =	sadd.s32 s2, s17  }
0x8e: {  	[smem:$0x3FB7] =	sst s2  }
0x8f: {  	_ = 	snop  }
0x90: {  	(tm) =	ssettm $0x1  }
0x91: {  	s18 =	sld [smem:$0x3FFB];
	_ =	sdelay $0x3  }
0x92: {  	_ =	strace s18  }
0x93: {  	s2 =	sld [smem:$0x3FFC];
	_ =	sdelay $0x3  }
0x94: {  	_ =	strace s2  }
0x95: {  	s2 =	sld [smem:$0x3FFD];
	_ =	sdelay $0x3  }
0x96: {  	_ =	strace s2  }
0x97: {  	_ =	strace $0x8FFFFFFF  }
0x98: {  	s19 =	sld [smem:$0x3FDB];
	_ =	sdelay $0x1  }
0x99: {  	s20 =	simm.s32 $_scs_section_size  }
0x9a: {  	s4 =	simm.s32 $_size__tile_overlayer_lowered;
	s5 =	simm.s32 $_tile_overlayer_lowered  }
0x9b: {  	s6 =	simm.s32 $0x1BFF;
	s21 =	sshll.u32 s5, $0x1;
	s3 =	sadd.s32 s20, s19  }
0x9c: {  	s22 =	simm.s32 $0x0;
	s4 =	sshll.u32 s4, $0x1;
	s5 =	sadd.s32 s21, s3  }
0x9d: {  	[timem:s22], [sflag:s6] =	dma.local [hbm:s5], s4  }
0x9e: {  	_ =	swait.ge [sflag:s6], s4  }
0x9f: {  	s4 =	ssub.s32 $0x0, s4;
	[sflag:s6] =	ssyncset.done $0x0  }
0xa0: {  	[sflag:s6] =	ssyncadd.s32 s4;
	_ =	sdelay $0x1  }
0xa1: {  	s23 =	simm.s32 $0x1B8B  }
0xa2: {  	_ =	swait.ge [sflag:s23], $0x1  }
0xa3: {  	[sflag:s23] =	ssyncset.done $0x0  }
0xa4: {  	[sflag:s23] =	ssyncadd.s32 $0xFFFFFFFF  }
0xa5: {  	s4 =	sld [smem:$0x0]  }
0xa6: {  	s5 =	sand.u32 $0xFFFFFFFE, s1  }
0xa7: {  	p0 =	sne.s32 s1, s5  }
0xa8: {  	s5 =	sshll.u32 @p0 s5, $0xE  }
0xa9: {  	s5 =	sadd.s32 @p0 $0x11B8D, s5;
	s6 =	sshll.u32 @p0 s4, $0x11  }
0xaa: {  	s5 =	sor.u32 @p0 s6, s5  }
0xab: {  	[sflag:s5] =	ssyncadd.remote.s32 @p0 $0x1;
	_ =	sdelay $0x1  }
0xac: {  	s5 =	simm.s32 @p0 $0x1B8D  }
0xad: {  	_ =	swait.eq @p0 [sflag:s5], $0x1  }
0xae: {  	[sflag:s5] =	ssyncadd.s32 @p0 $0xFFFFFFFF  }
0xaf: {  	s6 =	sshll.u32 @!p0 s1, $0xE  }
0xb0: {  	s6 =	sor.u32 @!p0 $0x4000, s6;
	s5 =	simm.s32 @!p0 $0x1B8D  }
0xb1: {  	s4 =	sshll.u32 @!p0 s4, $0x11;
	s6 =	sadd.s32 @!p0 $0x11B8D, s6;
	_ =	swait.eq @!p0 [sflag:s5], $0x1  }
0xb2: {  	s4 =	sor.u32 @!p0 s4, s6;
	[sflag:s5] =	ssyncadd.s32 @!p0 $0xFFFFFFFF  }
0xb3: {  	s25 =	simm.s32 $0x1B8E;
	s24 =	sld [smem:$0x3FFE];
	[sflag:s4] =	ssyncadd.remote.s32 @!p0 $0x1  }
0xb4: {  	s26 =	simm.s32 $execute0_lowered;
	[smem:$0x3FD2] =	sst s25  }
0xb5: {  	s5 =	sshll.u32 s26, $0x1;
	_ =	strace $0x8000004C;
	[dreg:$0x1] =	wrdreg $0xFFFFFFFF  }
0xb6: {  	s28 =	simm.s32 $_size_execute0_lowered;
	s3 =	sadd.s32 s3, s5;
	[dreg:$0x0] =	wrdreg $0x0  }
0xb7: {  	s5 =	sshll.u32 s28, $0x1;
	[dreg:$0x2] =	wrdreg s3  }
0xb8: {  	[dreg:$0x3] =	wrdreg s5  }
0xb9: {  	[dreg:$0x4] =	wrdreg $0xC0  }
0xba: {  	_ =	task [dreg:s22], $0x5FFFF  }
0xbb: {  	[dreg:$0x1] =	wrdreg $0xFFFFFFFF  }
0xbc: {  	[dreg:$0x0] =	wrdreg $0x60  }
0xbd: {  	[dreg:$0x2] =	wrdreg s24  }
0xbe: {  	[dreg:$0x3] =	wrdreg $0xA  }
0xbf: {  	_ =	task.clear_ibuf [dreg:s22], $0x4FFFF;
	_ =	strace $0x9000004C  }
0xc0: {  	s29 =	simm.s32 $0xA;
	_ =	strace $0x8000004E  }
0xc1: {  	_ =	swait.ge [sflag:s29], $0x1  }
0xc2: {  	[sflag:s29] =	ssyncadd.s32 $0xFFFFFFFF  }
0xc3: {  	_ =	strace $0x9000004E  }
0xc4: {  	_ =	sfence  }
0xc5: {  	s30 =	sld [smem:$0x0];
	_ =	sdelay $0x2  }
0xc6: {  	s31 =	sshll.u32 s1, $0xD;
	s1 =	sshrl.u32 s1, $0x2  }
0xc7: {  	s4 =	sand.u32 $0x4000, s31;
	s1 =	sadd.s32 s1, s30  }
0xc8: {  	s0 =	sor.u32 s4, s0;
	s1 =	sshll.u32 s1, $0x11  }
0xc9: {  	s0 =	sor.u32 s1, s0  }
0xca: {  	s0 =	sadd.s32 $0x8F2B, s0  }
0xcb: {  	[sflag:s0] =	ssyncadd.remote.s32 $0x1  }
0xcc: {  	_ =	sfence.sel $0xFFFF  }
0xcd: {  	[dreg:$0x0] =	wrdreg $0xFFFFFFFF;
	(pc) =	sbr.abs _section_cstart, $3  }
0xce: {  	[dreg:$0x1] =	wrdreg $0xFFFFFFFF  }
0xcf: {  	_ =	task.clear_ibuf [dreg:s22], $0x2FFFF;
	_ =	strace $0x9FFFFFFF  }
0xd0: {  	(tm) =	ssettm $0x7FFFFFFF  }
0xd1: {  	_ =	shalt  }
tec
execute0_lowered:
.L_overlay_start_1:
0x0: {  	(tag) =	ssettag $0x1  }
0x1: {  	s1 =	srdreg.scid;
	s0 =	stileid.u32  }
0x2: {  	s6 =	rddreg [dreg:$0x0];
	s7 =	simm.s32 $0x1;
	s1 =	sshll.u32 s1, $0x5  }
0x3: {  	s30 =	simm.s32 $0x2;
	s2 =	sshll.u32 s0, $0x6;
	s3 =	sand.u32 $0x20, s1  }
0x4: {  	s31 =	simm.s32 $0x3;
	s11 =	simm.s32 $0x0;
	s2 =	sor.u32 s2, s3  }
0x5: {  	s9 =	simm.s32 $0x0;
	s4 =	sadd.s32 $0x15E00, s6;
	s5 =	ssub.s32 $0x800, s2  }
0x6: {  	s1 =	rddreg [dreg:$0x1];
	_ =	strace $0x8000004D;
	s8 =	sand.u32 $0x3E0, s5  }
0x7: {  	s3 =	sadd.s32 $0x1C00, s6;
	[sflag:s7] =	ssyncpa.u1 $0x0;
	p0 =	sne.s32 s8, $0x0  }
0x8: {  	s6 =	sadd.s32 $0x16200, s6;
	s5 =	sshrl.u32 s5, $0xA;
	s7 =	simm.s32 @!p0 $0x0  }
0x9: {  	[sflag:s30] =	ssyncpa.u1 $0x0;
	s10 =	smov.u32 s2;
	s5 =	sadd.s32 s7, s5  }
0xa: {  	[sflag:s31] =	ssyncpa.u1 $0x0;
	s8 =	simm.s32 $0x0;
	s7 =	sadd.s32 $0x1, s5  }
.LBB2_1:
0xb: {  	p0 =	sge.u32 s9, s5  }
0xc: {  	s31 =	sadd.s32 $0xFFFFFFFF, s9;
	s12 =	sxor.u32 @!p0 $0xFFFFFFFF, s8;
	s13 =	sshrl.u32 @!p0 s10, $0x3  }
0xd: {  	s14 =	sand.u32 @!p0 $0x7, s10;
	s12 =	sand.u32 @!p0 $0x20, s12;
	s13 =	sadd.s32 @!p0 s4, s13  }
0xe: {  	[tilespmem:s12], [sflag:$0x2] =	stream.linear.gather @!p0 [hbm4b:s13+s14], $0x20, $0x38;
	[tilespmem:$0x80] =	vst v63  }
0xf: {  	p0 =	sge.u32 s31, s5  }
0x10: {  	s12 =	simm.s32 @!p0 $0x2  }
0x11: {  	_ =	swait.ge @!p0 [sflag:s12], $0x20  }
0x12: {  	[sflag:s12] =	ssyncset.done @!p0 $0x0  }
0x13: {  	[sflag:s12] =	ssyncadd.s32 @!p0 $0xFFFFFFE0;
	s12 =	sand.u32 @!p0 $0x20, s8  }
0x14: {  	(ifvalue) =	ssetifvalue @!p0 $0x7FFFFFFF;
	v0 =	vld.msk @!p0 [tilespmem:s12+$0x0 ss:$0x1], $0xffff;
	_ =	sdelay $0x4  }
0x15: {  	vm0 =	vgt.s32 @!p0 v0, $0x0  }
0x16: {  	v0 =	vnsel @!p0 vm0, $0x0, v0  }
0x17: {  	v0 =	vmin.u32 @!p0 v0, $0x270F;
	_ =	sdelay $0x2  }
0x18: {  	s14 =	simm.s32 @!p0 $0x0  }
0x19: {  	s13 =	sor.u32 @!p0 $0x40, s12;
	(ifvalue) =	ssetifvalue @!p0 $0x7FFFFFFF;
	s15 =	sor.u32 @!p0 $0x10, s12;
	vm0 =	vmmov @!p0 $0xffff  }
0x1a: {  	[tilespmem:s13], [sflag:$0x1] =	stream.indirect_vreg.gather @!p0 [hbm4b:s3+s14], $0x1, v0, vm0, $0x4038;
	[tilespmem:$0x80] =	vst v63  }
0x1b: {  	v0 =	vld.msk @!p0 [tilespmem:s15+$0x0 ss:$0x1], $0xffff;
	_ =	sdelay $0x4  }
0x1c: {  	vm1 =	vgt.s32 @!p0 v0, $0x0  }
0x1d: {  	v0 =	vnsel @!p0 vm1, $0x0, v0  }
0x1e: {  	v0 =	vmin.u32 @!p0 v0, $0x270F;
	_ =	sdelay $0x3  }
0x1f: {  	s12 =	sor.u32 @!p0 $0x50, s12;
	(ifvalue) =	ssetifvalue @!p0 $0x7FFFFFFF  }
0x20: {  	[tilespmem:s12], [sflag:$0x1] =	stream.indirect_vreg.gather @!p0 [hbm4b:s3+s14], $0x1, v0, vm0, $0x4038;
	[tilespmem:$0x80] =	vst v63  }
0x21: {  	s12 =	simm.s32 @!p0 $0x1  }
0x22: {  	_ =	swait.ge @!p0 [sflag:s12], $0x20  }
0x23: {  	s14 =	sshrl.u32 @!p0 s11, $0x3;
	[sflag:s12] =	ssyncset.done @!p0 $0x0  }
0x24: {  	s11 =	sand.u32 @!p0 $0x7, s11;
	[sflag:s12] =	ssyncadd.s32 @!p0 $0xFFFFFFE0;
	s12 =	sadd.s32 @!p0 s6, s14  }
0x25: {  	[hbm4b:s12+s11] =	stream.linear.scatter @!p0 [tilespmem:s13], [sflag:$0x3], $0x20, $0x38;
	[tilespmem:$0x80] =	vst v63  }
0x26: {  	s13 =	sadd.s32 $0x400, s10  }
0x27: {  	p1 =	sgt.s32 s13, $0x7FF  }
0x28: {  	s13 =	smov.u32 @p1 s2;
	p1 =	sne.s32 s9, s7  }
.Ltmp0:
0x29: {  	p0 =	slt.u32 s9, $0x2;
	(pc) =	sbr.rel @p1 .LBB2_1-.Ltmp0, $4  }
0x2a: {  	s12 =	simm.s32 @!p0 $0x3  }
0x2b: {  	_ =	swait.ge @!p0 [sflag:s12], $0x20  }
0x2c: {  	s8 =	sadd.s32 $0x20, s8;
	s11 =	smov.u32 s10;
	[sflag:s12] =	ssyncset.done @!p0 $0x0  }
0x2d: {  	s9 =	sadd.s32 $0x1, s9;
	s10 =	smov.u32 s13;
	[sflag:s12] =	ssyncadd.s32 @!p0 $0xFFFFFFE0  }
0x2e: {  	_ =	sfence.sel $0x180000  }
0x2f: {  	s2 =	simm.s32 $0x2;
	[bflag:$0x0] =	sbarrier.arrive $0xFFFF  }
0x30: {  	s30 =	simm.s32 $0x3;
	[sflag:s2] =	ssyncpa.u1 $0x1  }
0x31: {  	s31 =	simm.s32 $0x1;
	[sflag:s30] =	ssyncpa.u1 $0x1  }
0x32: {  	[sflag:s31] =	ssyncpa.u1 $0x1  }
0x33: {  	p0 =	sne.s32 s0, $0x0;
	_ =	strace $0x9000004D  }
0x34: {  	s0 =	sadd.s32 @!p0 $0x100000, s1;
	[bflag:$0x2] =	sbarrier.arrive $0xFFFF  }
0x35: {  	[sflag:s0] =	ssyncadd.tile.s32 @!p0 $0x1;
	_ =	shalt  }
.Lfunc_end2:
_tile_overlayer_lowered:
.L_overlay_start_2:
0x36: {  	(tag) =	ssettag $0x2  }
0x37: {  	s0 =	rddreg [dreg:$0x0];
	s2 =	stileid.u32  }
0x38: {  	s1 =	rddreg [dreg:$0x1];
	p0 =	sne.s32 s2, $0x0  }
0x39: {  	s3 =	rddreg [dreg:$0x2];
	[bflag:$0x3] =	sbarrier.arrive $0xFFFF;
	s2 =	simm.s32 @!p0 $0x1C01  }
0x3a: {  	[timem:s3], [sflag:s2] =	dma.local @!p0 [hbm:s0], s1  }
0x3b: {  	s0 =	simm.s32 @!p0 $0x1  }
0x3c: {  	_ =	swait.ge @!p0 [sflag:s0], s1  }
0x3d: {  	s1 =	ssub.s32 @!p0 $0x0, s1;
	[sflag:s0] =	ssyncset.done @!p0 $0x0  }
0x3e: {  	[sflag:s0] =	ssyncadd.s32 @!p0 s1  }
0x3f: {  	[bflag:$0x3] =	sbarrier.arrive $0xFFFF  }
0x40: {  	_ =	shalt  }

// kernel: gather_offload_async_start
scs
__scs_entry_jumppad:
0x0: {  	(pc) =	sbr.rel $0x88, $3  }
0x1: {  	(tag) =	ssettag $0x0;
	lr =	simm.s32 $0x1  }
0x2: {  	[smem:$0x3F90] =	sst lr;
	_ =	strace $0xD0000000  }
0x3: {  	_ = 	snop  }
0x4: {  	_ = 	snop  }
0x5: {  	_ = 	snop  }
0x6: {  	_ = 	snop  }
0x7: {  	_ = 	snop  }
__scs_overlays_trampoline_lowered:
0x8: {  	[smem:$0x3F9F] =	sst s0  }
0x9: {  	[smem:$0x3FA0] =	sst s1  }
0xa: {  	[smem:$0x3FA1] =	sst s2  }
0xb: {  	[smem:$0x3FA2] =	sst s3  }
0xc: {  	[smem:$0x3FA3] =	sst s4  }
0xd: {  	[smem:$0x3FA4] =	sst s5  }
0xe: {  	[smem:$0x3FA5] =	sst s6  }
0xf: {  	[smem:$0x3FA6] =	sst s7  }
0x10: {  	[smem:$0x3FA7] =	sst s8  }
0x11: {  	[smem:$0x3FA8] =	sst s9;
	s0 =	simm.s32 @!p0 $0x0  }
0x12: {  	s1 =	sld [smem:$0x3F8E];
	s0 =	simm.s32 @p0 $0x1  }
0x13: {  	[smem:$0x3FA9] =	sst s0;
	s0 =	simm.s32 @!p1 $0x0  }
0x14: {  	s2 =	sld [smem:$0x3F8D];
	s0 =	simm.s32 @p1 $0x1  }
0x15: {  	[smem:$0x3FAA] =	sst s0;
	s0 =	simm.s32 @!p2 $0x0  }
0x16: {  	s3 =	sld [smem:$0x3FDB];
	s0 =	simm.s32 @p2 $0x1  }
0x17: {  	s4 =	simm.s32 $0x1BF5;
	[smem:$0x3FAC] =	sst s0  }
0x18: {  	s0 =	sld [smem:$0x3F8F];
	_ =	swait.ge [sflag:s4], $0x0  }
0x19: {  	s7 =	sld [smem:$0x3F90]  }
0x1a: {  	s8 =	sadd.s32 $0xFFFFE003, lr  }
0x1b: {  	s9 =	sadd.s32 $0xFFFFFEF7, lr;
	s5 =	simm.s32 $0xFFFFFFFF;
	p2 =	slt.u32 s8, $0xFFFFF086  }
0x1c: {  	p1 =	slt.u32 s9, $0xF7A;
	s5 =	simm.s32 @!p2 $0x0  }
0x1d: {  	s5 =	simm.s32 @p1 $0x1;
	p0 =	seq.s32 s7, s2  }
0x1e: {  	s7 =	smul.u32 @!p0 $0xF7A, s2;
	p2 =	seq.s32 @!p0 s5, $0x0  }
0x1f: {  	s9 =	smul.u32 $0xF7A, s1;
	s8 =	simm.s32 @!p0 $0x1BF5;
	p2 =	por !p2, p0  }
0x20: {  	[sflag:s8] =	ssyncset.s32 @!p0 $0xFFFFF086;
	s6 =	sadd.s32 @!p0 s3, s7;
	s7 =	simm.s32 @!p0 $0x108  }
0x21: {  	s3 =	sadd.s32 s3, s9;
	s6 =	sadd.s32 @!p0 $0x88, s6;
	s7 =	simm.s32 @p2 $0x1082  }
0x22: {  	[simem:s7], [sflag:s8] =	dma.local @!p0 [hbm:s6], $0xF7A  }
0x23: {  	s9 =	sor.u32 $0xD0000000, s2;
	s6 =	simm.s32 $0x108;
	_ =	swait.ge @!p0 [sflag:s8], $0x0  }
0x24: {  	s3 =	sadd.s32 $0x88, s3;
	s6 =	simm.s32 @!p1 $0x1082;
	[sflag:s4] =	ssyncset.s32 $0xFFFFF086  }
0x25: {  	[simem:s6], [sflag:s4] =	dma.local [hbm:s3], $0xF7A  }
0x26: {  	[smem:$0x3F90] =	sst s1;
	(tag) =	ssettag s2;
	_ =	strace s9  }
0x27: {  	s1 =	sld [smem:$0x3FA0]  }
0x28: {  	s2 =	sld [smem:$0x3FA1]  }
0x29: {  	s4 =	sld [smem:$0x3FA3]  }
0x2a: {  	p0 =	seq.s32 s5, $0x0;
	s5 =	sld [smem:$0x3FA4]  }
0x2b: {  	s6 =	sld [smem:$0x3FA5]  }
0x2c: {  	s7 =	sld [smem:$0x3FA6]  }
0x2d: {  	s3 =	simm.s32 $0x108;
	s8 =	sld [smem:$0x3FA7]  }
0x2e: {  	s3 =	simm.s32 @!p0 $0x1082;
	s9 =	sld [smem:$0x3FA8]  }
0x2f: {  	lr =	sadd.s32 s0, s3;
	s0 =	sld [smem:$0x3F9F]  }
0x30: {  	s3 =	sld [smem:$0x3FA2]  }
0x31: {  	[smem:$0x3FAB] =	sst s10  }
0x32: {  	s10 =	sld [smem:$0x3FA9];
	_ =	sdelay $0x3  }
0x33: {  	p0 =	seq.s32 s10, $0x1;
	s10 =	sld [smem:$0x3FAB];
	_ =	sdelay $0x3  }
0x34: {  	[smem:$0x3FAB] =	sst s10  }
0x35: {  	s10 =	sld [smem:$0x3FAA];
	_ =	sdelay $0x3  }
0x36: {  	p1 =	seq.s32 s10, $0x1;
	s10 =	sld [smem:$0x3FAB];
	_ =	sdelay $0x3  }
0x37: {  	[smem:$0x3FAB] =	sst s10  }
0x38: {  	s10 =	sld [smem:$0x3FAC]  }
0x39: {  	_ = 	snop;
	(pc) =	sbr.ind lr, $3  }
0x3a: {  	_ = 	snop  }
0x3b: {  	_ = 	snop  }
0x3c: {  	p2 =	seq.s32 s10, $0x1;
	s10 =	sld [smem:$0x3FAB]  }
0x3d: {  	_ =	shalt  }
0x3e: {  	_ =	shalt  }
0x3f: {  	_ =	shalt  }
0x40: {  	_ =	shalt  }
0x41: {  	_ =	shalt  }
0x42: {  	_ =	shalt  }
0x43: {  	_ =	shalt  }
0x44: {  	_ =	shalt  }
0x45: {  	_ =	shalt  }
0x46: {  	_ =	shalt  }
0x47: {  	_ =	shalt  }
0x48: {  	_ =	shalt  }
0x49: {  	_ =	shalt  }
0x4a: {  	_ =	shalt  }
0x4b: {  	_ =	shalt  }
0x4c: {  	_ =	shalt  }
0x4d: {  	_ =	shalt  }
0x4e: {  	_ =	shalt  }
0x4f: {  	_ =	shalt  }
0x50: {  	_ =	shalt  }
0x51: {  	_ =	shalt  }
0x52: {  	_ =	shalt  }
0x53: {  	_ =	shalt  }
0x54: {  	_ =	shalt  }
0x55: {  	_ =	shalt  }
0x56: {  	_ =	shalt  }
0x57: {  	_ =	shalt  }
0x58: {  	_ =	shalt  }
0x59: {  	_ =	shalt  }
0x5a: {  	_ =	shalt  }
0x5b: {  	_ =	shalt  }
0x5c: {  	_ =	shalt  }
0x5d: {  	_ =	shalt  }
0x5e: {  	_ =	shalt  }
0x5f: {  	_ =	shalt  }
0x60: {  	_ =	shalt  }
0x61: {  	_ =	shalt  }
0x62: {  	_ =	shalt  }
0x63: {  	_ =	shalt  }
0x64: {  	_ =	shalt  }
0x65: {  	_ =	shalt  }
0x66: {  	_ =	shalt  }
0x67: {  	_ =	shalt  }
0x68: {  	_ =	shalt  }
0x69: {  	_ =	shalt  }
0x6a: {  	_ =	shalt  }
0x6b: {  	_ =	shalt  }
0x6c: {  	_ =	shalt  }
0x6d: {  	_ =	shalt  }
0x6e: {  	_ =	shalt  }
0x6f: {  	_ =	shalt  }
0x70: {  	_ =	shalt  }
0x71: {  	_ =	shalt  }
0x72: {  	_ =	shalt  }
0x73: {  	_ =	shalt  }
0x74: {  	_ =	shalt  }
0x75: {  	_ =	shalt  }
0x76: {  	_ =	shalt  }
0x77: {  	_ =	shalt  }
0x78: {  	_ =	shalt  }
0x79: {  	_ =	shalt  }
0x7a: {  	_ =	shalt  }
0x7b: {  	_ =	shalt  }
0x7c: {  	_ =	shalt  }
0x7d: {  	_ =	shalt  }
0x7e: {  	_ =	shalt  }
0x7f: {  	_ =	shalt  }
0x80: {  	_ =	shalt  }
0x81: {  	_ =	shalt  }
0x82: {  	_ =	shalt  }
0x83: {  	_ =	shalt  }
0x84: {  	_ =	shalt  }
0x85: {  	_ =	shalt  }
0x86: {  	_ =	shalt  }
0x87: {  	_ =	shalt  }
.Lfunc_end0:
.L_simem_size_0:
called_computation.1_lowered:
.L_overlay_start_0:
0x88: {  	s2 =	sld [smem:$0x3FD9]  }
0x89: {  	s3 =	sld [smem:$0x3FFE];
	_ =	sdelay $0x1  }
0x8a: {  	s1 =	srdreg.scid  }
0x8b: {  	s0 =	sand.u32 $0x1, s1  }
0x8c: {  	s17 =	sshll.u32 s0, $0xA;
	s2 =	sadd.s32 s3, s2  }
0x8d: {  	s2 =	sadd.s32 s2, s17  }
0x8e: {  	[smem:$0x3FB7] =	sst s2  }
0x8f: {  	_ = 	snop  }
0x90: {  	(tm) =	ssettm $0x1  }
0x91: {  	s18 =	sld [smem:$0x3FFB];
	_ =	sdelay $0x3  }
0x92: {  	_ =	strace s18  }
0x93: {  	s2 =	sld [smem:$0x3FFC];
	_ =	sdelay $0x3  }
0x94: {  	_ =	strace s2  }
0x95: {  	s2 =	sld [smem:$0x3FFD];
	_ =	sdelay $0x3  }
0x96: {  	_ =	strace s2  }
0x97: {  	_ =	strace $0x8FFFFFFF  }
0x98: {  	s19 =	sld [smem:$0x3FDB];
	_ =	sdelay $0x1  }
0x99: {  	s20 =	simm.s32 $_scs_section_size  }
0x9a: {  	s4 =	simm.s32 $_size__tile_overlayer_lowered;
	s5 =	simm.s32 $_tile_overlayer_lowered  }
0x9b: {  	s6 =	simm.s32 $0x1BFF;
	s21 =	sshll.u32 s5, $0x1;
	s3 =	sadd.s32 s20, s19  }
0x9c: {  	s22 =	simm.s32 $0x0;
	s4 =	sshll.u32 s4, $0x1;
	s5 =	sadd.s32 s21, s3  }
0x9d: {  	[timem:s22], [sflag:s6] =	dma.local [hbm:s5], s4  }
0x9e: {  	_ =	swait.ge [sflag:s6], s4  }
0x9f: {  	s4 =	ssub.s32 $0x0, s4;
	[sflag:s6] =	ssyncset.done $0x0  }
0xa0: {  	[sflag:s6] =	ssyncadd.s32 s4;
	_ =	sdelay $0x1  }
0xa1: {  	s23 =	simm.s32 $0x1B8B  }
0xa2: {  	_ =	swait.ge [sflag:s23], $0x1  }
0xa3: {  	[sflag:s23] =	ssyncset.done $0x0  }
0xa4: {  	[sflag:s23] =	ssyncadd.s32 $0xFFFFFFFF  }
0xa5: {  	s4 =	sld [smem:$0x0]  }
0xa6: {  	s5 =	sand.u32 $0xFFFFFFFE, s1  }
0xa7: {  	p0 =	sne.s32 s1, s5  }
0xa8: {  	s5 =	sshll.u32 @p0 s5, $0xE  }
0xa9: {  	s5 =	sadd.s32 @p0 $0x11B8D, s5;
	s6 =	sshll.u32 @p0 s4, $0x11  }
0xaa: {  	s5 =	sor.u32 @p0 s6, s5  }
0xab: {  	[sflag:s5] =	ssyncadd.remote.s32 @p0 $0x1;
	_ =	sdelay $0x1  }
0xac: {  	s5 =	simm.s32 @p0 $0x1B8D  }
0xad: {  	_ =	swait.eq @p0 [sflag:s5], $0x1  }
0xae: {  	[sflag:s5] =	ssyncadd.s32 @p0 $0xFFFFFFFF  }
0xaf: {  	s6 =	sshll.u32 @!p0 s1, $0xE  }
0xb0: {  	s6 =	sor.u32 @!p0 $0x4000, s6;
	s5 =	simm.s32 @!p0 $0x1B8D  }
0xb1: {  	s4 =	sshll.u32 @!p0 s4, $0x11;
	s6 =	sadd.s32 @!p0 $0x11B8D, s6;
	_ =	swait.eq @!p0 [sflag:s5], $0x1  }
0xb2: {  	s4 =	sor.u32 @!p0 s4, s6;
	[sflag:s5] =	ssyncadd.s32 @!p0 $0xFFFFFFFF  }
0xb3: {  	s25 =	simm.s32 $0x1B8E;
	s24 =	sld [smem:$0x3FFE];
	[sflag:s4] =	ssyncadd.remote.s32 @!p0 $0x1  }
0xb4: {  	s26 =	simm.s32 $execute0_lowered;
	[smem:$0x3FD2] =	sst s25  }
0xb5: {  	s5 =	sshll.u32 s26, $0x1;
	_ =	strace $0x80000049;
	[dreg:$0x1] =	wrdreg $0xFFFFFFFF  }
0xb6: {  	s28 =	simm.s32 $_size_execute0_lowered;
	s3 =	sadd.s32 s3, s5;
	[dreg:$0x0] =	wrdreg $0x0  }
0xb7: {  	s5 =	sshll.u32 s28, $0x1;
	[dreg:$0x2] =	wrdreg s3  }
0xb8: {  	[dreg:$0x3] =	wrdreg s5  }
0xb9: {  	[dreg:$0x4] =	wrdreg $0xC0  }
0xba: {  	_ =	task [dreg:s22], $0x5FFFF  }
0xbb: {  	[dreg:$0x1] =	wrdreg $0xFFFFFFFF  }
0xbc: {  	[dreg:$0x0] =	wrdreg $0x60  }
0xbd: {  	[dreg:$0x2] =	wrdreg s24  }
0xbe: {  	[dreg:$0x3] =	wrdreg $0x9  }
0xbf: {  	_ =	task.clear_ibuf [dreg:s22], $0x4FFFF;
	_ =	strace $0x90000049  }
0xc0: {  	s29 =	simm.s32 $0x9;
	_ =	strace $0x8000004B  }
0xc1: {  	_ =	swait.ge [sflag:s29], $0x1  }
0xc2: {  	[sflag:s29] =	ssyncadd.s32 $0xFFFFFFFF  }
0xc3: {  	_ =	strace $0x9000004B  }
0xc4: {  	_ =	sfence  }
0xc5: {  	s30 =	sld [smem:$0x0];
	_ =	sdelay $0x2  }
0xc6: {  	s31 =	sshll.u32 s1, $0xD;
	s1 =	sshrl.u32 s1, $0x2  }
0xc7: {  	s4 =	sand.u32 $0x4000, s31;
	s1 =	sadd.s32 s1, s30  }
0xc8: {  	s0 =	sor.u32 s4, s0;
	s1 =	sshll.u32 s1, $0x11  }
0xc9: {  	s0 =	sor.u32 s1, s0  }
0xca: {  	s0 =	sadd.s32 $0x8F2B, s0  }
0xcb: {  	[sflag:s0] =	ssyncadd.remote.s32 $0x1  }
0xcc: {  	_ =	sfence.sel $0xFFFF  }
0xcd: {  	[dreg:$0x0] =	wrdreg $0xFFFFFFFF;
	(pc) =	sbr.abs _section_cstart, $3  }
0xce: {  	[dreg:$0x1] =	wrdreg $0xFFFFFFFF  }
0xcf: {  	_ =	task.clear_ibuf [dreg:s22], $0x2FFFF;
	_ =	strace $0x9FFFFFFF  }
0xd0: {  	(tm) =	ssettm $0x7FFFFFFF  }
0xd1: {  	_ =	shalt  }
tec
execute0_lowered:
.L_overlay_start_1:
0x0: {  	(tag) =	ssettag $0x1  }
0x1: {  	s1 =	srdreg.scid;
	s0 =	stileid.u32  }
0x2: {  	s6 =	rddreg [dreg:$0x0];
	s7 =	simm.s32 $0x1;
	s1 =	sshll.u32 s1, $0x5  }
0x3: {  	s30 =	simm.s32 $0x2;
	s2 =	sshll.u32 s0, $0x6;
	s3 =	sand.u32 $0x20, s1  }
0x4: {  	s31 =	simm.s32 $0x3;
	s11 =	simm.s32 $0x0;
	s2 =	sor.u32 s2, s3  }
0x5: {  	s9 =	simm.s32 $0x0;
	s4 =	sadd.s32 $0x29A00, s6;
	s5 =	ssub.s32 $0x800, s2  }
0x6: {  	s1 =	rddreg [dreg:$0x1];
	_ =	strace $0x8000004A;
	s8 =	sand.u32 $0x3E0, s5  }
0x7: {  	s3 =	sadd.s32 $0x1C00, s6;
	[sflag:s7] =	ssyncpa.u1 $0x0;
	p0 =	sne.s32 s8, $0x0  }
0x8: {  	s6 =	sadd.s32 $0x16000, s6;
	s5 =	sshrl.u32 s5, $0xA;
	s7 =	simm.s32 @!p0 $0x0  }
0x9: {  	[sflag:s30] =	ssyncpa.u1 $0x0;
	s10 =	smov.u32 s2;
	s5 =	sadd.s32 s7, s5  }
0xa: {  	[sflag:s31] =	ssyncpa.u1 $0x0;
	s8 =	simm.s32 $0x0;
	s7 =	sadd.s32 $0x1, s5  }
.LBB2_1:
0xb: {  	p0 =	sge.u32 s9, s5  }
0xc: {  	s31 =	sadd.s32 $0xFFFFFFFF, s9;
	s12 =	sxor.u32 @!p0 $0xFFFFFFFF, s8;
	s13 =	sshrl.u32 @!p0 s10, $0x3  }
0xd: {  	s14 =	sand.u32 @!p0 $0x7, s10;
	s12 =	sand.u32 @!p0 $0x20, s12;
	s13 =	sadd.s32 @!p0 s4, s13  }
0xe: {  	[tilespmem:s12], [sflag:$0x2] =	stream.linear.gather @!p0 [hbm4b:s13+s14], $0x20, $0x38;
	[tilespmem:$0x80] =	vst v63  }
0xf: {  	p0 =	sge.u32 s31, s5  }
0x10: {  	s12 =	simm.s32 @!p0 $0x2  }
0x11: {  	_ =	swait.ge @!p0 [sflag:s12], $0x20  }
0x12: {  	[sflag:s12] =	ssyncset.done @!p0 $0x0  }
0x13: {  	[sflag:s12] =	ssyncadd.s32 @!p0 $0xFFFFFFE0;
	s12 =	sand.u32 @!p0 $0x20, s8  }
0x14: {  	(ifvalue) =	ssetifvalue @!p0 $0x7FFFFFFF;
	v0 =	vld.msk @!p0 [tilespmem:s12+$0x0 ss:$0x1], $0xffff;
	_ =	sdelay $0x4  }
0x15: {  	vm0 =	vgt.s32 @!p0 v0, $0x0  }
0x16: {  	v0 =	vnsel @!p0 vm0, $0x0, v0  }
0x17: {  	v0 =	vmin.u32 @!p0 v0, $0x270F;
	_ =	sdelay $0x2  }
0x18: {  	s14 =	simm.s32 @!p0 $0x0  }
0x19: {  	s13 =	sor.u32 @!p0 $0x40, s12;
	(ifvalue) =	ssetifvalue @!p0 $0x7FFFFFFF;
	s15 =	sor.u32 @!p0 $0x10, s12;
	vm0 =	vmmov @!p0 $0xffff  }
0x1a: {  	[tilespmem:s13], [sflag:$0x1] =	stream.indirect_vreg.gather @!p0 [hbm4b:s3+s14], $0x1, v0, vm0, $0x4038;
	[tilespmem:$0x80] =	vst v63  }
0x1b: {  	v0 =	vld.msk @!p0 [tilespmem:s15+$0x0 ss:$0x1], $0xffff;
	_ =	sdelay $0x4  }
0x1c: {  	vm1 =	vgt.s32 @!p0 v0, $0x0  }
0x1d: {  	v0 =	vnsel @!p0 vm1, $0x0, v0  }
0x1e: {  	v0 =	vmin.u32 @!p0 v0, $0x270F;
	_ =	sdelay $0x3  }
0x1f: {  	s12 =	sor.u32 @!p0 $0x50, s12;
	(ifvalue) =	ssetifvalue @!p0 $0x7FFFFFFF  }
0x20: {  	[tilespmem:s12], [sflag:$0x1] =	stream.indirect_vreg.gather @!p0 [hbm4b:s3+s14], $0x1, v0, vm0, $0x4038;
	[tilespmem:$0x80] =	vst v63  }
0x21: {  	s12 =	simm.s32 @!p0 $0x1  }
0x22: {  	_ =	swait.ge @!p0 [sflag:s12], $0x20  }
0x23: {  	s14 =	sshrl.u32 @!p0 s11, $0x3;
	[sflag:s12] =	ssyncset.done @!p0 $0x0  }
0x24: {  	s11 =	sand.u32 @!p0 $0x7, s11;
	[sflag:s12] =	ssyncadd.s32 @!p0 $0xFFFFFFE0;
	s12 =	sadd.s32 @!p0 s6, s14  }
0x25: {  	[hbm4b:s12+s11] =	stream.linear.scatter @!p0 [tilespmem:s13], [sflag:$0x3], $0x20, $0x38;
	[tilespmem:$0x80] =	vst v63  }
0x26: {  	s13 =	sadd.s32 $0x400, s10  }
0x27: {  	p1 =	sgt.s32 s13, $0x7FF  }
0x28: {  	s13 =	smov.u32 @p1 s2;
	p1 =	sne.s32 s9, s7  }
.Ltmp0:
0x29: {  	p0 =	slt.u32 s9, $0x2;
	(pc) =	sbr.rel @p1 .LBB2_1-.Ltmp0, $4  }
0x2a: {  	s12 =	simm.s32 @!p0 $0x3  }
0x2b: {  	_ =	swait.ge @!p0 [sflag:s12], $0x20  }
0x2c: {  	s8 =	sadd.s32 $0x20, s8;
	s11 =	smov.u32 s10;
	[sflag:s12] =	ssyncset.done @!p0 $0x0  }
0x2d: {  	s9 =	sadd.s32 $0x1, s9;
	s10 =	smov.u32 s13;
	[sflag:s12] =	ssyncadd.s32 @!p0 $0xFFFFFFE0  }
0x2e: {  	_ =	sfence.sel $0x180000  }
0x2f: {  	s2 =	simm.s32 $0x2;
	[bflag:$0x0] =	sbarrier.arrive $0xFFFF  }
0x30: {  	s30 =	simm.s32 $0x3;
	[sflag:s2] =	ssyncpa.u1 $0x1  }
0x31: {  	s31 =	simm.s32 $0x1;
	[sflag:s30] =	ssyncpa.u1 $0x1  }
0x32: {  	[sflag:s31] =	ssyncpa.u1 $0x1  }
0x33: {  	p0 =	sne.s32 s0, $0x0;
	_ =	strace $0x9000004A  }
0x34: {  	s0 =	sadd.s32 @!p0 $0x100000, s1;
	[bflag:$0x2] =	sbarrier.arrive $0xFFFF  }
0x35: {  	[sflag:s0] =	ssyncadd.tile.s32 @!p0 $0x1;
	_ =	shalt  }
.Lfunc_end2:
_tile_overlayer_lowered:
.L_overlay_start_2:
0x36: {  	(tag) =	ssettag $0x2  }
0x37: {  	s0 =	rddreg [dreg:$0x0];
	s2 =	stileid.u32  }
0x38: {  	s1 =	rddreg [dreg:$0x1];
	p0 =	sne.s32 s2, $0x0  }
0x39: {  	s3 =	rddreg [dreg:$0x2];
	[bflag:$0x3] =	sbarrier.arrive $0xFFFF;
	s2 =	simm.s32 @!p0 $0x1C01  }
0x3a: {  	[timem:s3], [sflag:s2] =	dma.local @!p0 [hbm:s0], s1  }
0x3b: {  	s0 =	simm.s32 @!p0 $0x1  }
0x3c: {  	_ =	swait.ge @!p0 [sflag:s0], s1  }
0x3d: {  	s1 =	ssub.s32 @!p0 $0x0, s1;
	[sflag:s0] =	ssyncset.done @!p0 $0x0  }
0x3e: {  	[sflag:s0] =	ssyncadd.s32 @!p0 s1  }
0x3f: {  	[bflag:$0x3] =	sbarrier.arrive $0xFFFF  }
0x40: {  	_ =	shalt  }

// kernel: kernel.4.cloned.1.call-start
scs
__scs_entry_jumppad:
0x0: {  	(pc) =	sbr.rel $0x88, $3  }
0x1: {  	(tag) =	ssettag $0x0;
	lr =	simm.s32 $0x1  }
0x2: {  	[smem:$0x3F90] =	sst lr;
	_ =	strace $0xD0000000  }
0x3: {  	_ = 	snop  }
0x4: {  	_ = 	snop  }
0x5: {  	_ = 	snop  }
0x6: {  	_ = 	snop  }
0x7: {  	_ = 	snop  }
__scs_overlays_trampoline_lowered:
0x8: {  	[smem:$0x3F9F] =	sst s0  }
0x9: {  	[smem:$0x3FA0] =	sst s1  }
0xa: {  	[smem:$0x3FA1] =	sst s2  }
0xb: {  	[smem:$0x3FA2] =	sst s3  }
0xc: {  	[smem:$0x3FA3] =	sst s4  }
0xd: {  	[smem:$0x3FA4] =	sst s5  }
0xe: {  	[smem:$0x3FA5] =	sst s6  }
0xf: {  	[smem:$0x3FA6] =	sst s7  }
0x10: {  	[smem:$0x3FA7] =	sst s8  }
0x11: {  	[smem:$0x3FA8] =	sst s9;
	s0 =	simm.s32 @!p0 $0x0  }
0x12: {  	s1 =	sld [smem:$0x3F8E];
	s0 =	simm.s32 @p0 $0x1  }
0x13: {  	[smem:$0x3FA9] =	sst s0;
	s0 =	simm.s32 @!p1 $0x0  }
0x14: {  	s2 =	sld [smem:$0x3F8D];
	s0 =	simm.s32 @p1 $0x1  }
0x15: {  	[smem:$0x3FAA] =	sst s0;
	s0 =	simm.s32 @!p2 $0x0  }
0x16: {  	s3 =	sld [smem:$0x3FDB];
	s0 =	simm.s32 @p2 $0x1  }
0x17: {  	s4 =	simm.s32 $0x1BF5;
	[smem:$0x3FAC] =	sst s0  }
0x18: {  	s0 =	sld [smem:$0x3F8F];
	_ =	swait.ge [sflag:s4], $0x0  }
0x19: {  	s7 =	sld [smem:$0x3F90]  }
0x1a: {  	s8 =	sadd.s32 $0xFFFFE003, lr  }
0x1b: {  	s9 =	sadd.s32 $0xFFFFFEF7, lr;
	s5 =	simm.s32 $0xFFFFFFFF;
	p2 =	slt.u32 s8, $0xFFFFF086  }
0x1c: {  	p1 =	slt.u32 s9, $0xF7A;
	s5 =	simm.s32 @!p2 $0x0  }
0x1d: {  	s5 =	simm.s32 @p1 $0x1;
	p0 =	seq.s32 s7, s2  }
0x1e: {  	s7 =	smul.u32 @!p0 $0xF7A, s2;
	p2 =	seq.s32 @!p0 s5, $0x0  }
0x1f: {  	s9 =	smul.u32 $0xF7A, s1;
	s8 =	simm.s32 @!p0 $0x1BF5;
	p2 =	por !p2, p0  }
0x20: {  	[sflag:s8] =	ssyncset.s32 @!p0 $0xFFFFF086;
	s6 =	sadd.s32 @!p0 s3, s7;
	s7 =	simm.s32 @!p0 $0x108  }
0x21: {  	s3 =	sadd.s32 s3, s9;
	s6 =	sadd.s32 @!p0 $0x88, s6;
	s7 =	simm.s32 @p2 $0x1082  }
0x22: {  	[simem:s7], [sflag:s8] =	dma.local @!p0 [hbm:s6], $0xF7A  }
0x23: {  	s9 =	sor.u32 $0xD0000000, s2;
	s6 =	simm.s32 $0x108;
	_ =	swait.ge @!p0 [sflag:s8], $0x0  }
0x24: {  	s3 =	sadd.s32 $0x88, s3;
	s6 =	simm.s32 @!p1 $0x1082;
	[sflag:s4] =	ssyncset.s32 $0xFFFFF086  }
0x25: {  	[simem:s6], [sflag:s4] =	dma.local [hbm:s3], $0xF7A  }
0x26: {  	[smem:$0x3F90] =	sst s1;
	(tag) =	ssettag s2;
	_ =	strace s9  }
0x27: {  	s1 =	sld [smem:$0x3FA0]  }
0x28: {  	s2 =	sld [smem:$0x3FA1]  }
0x29: {  	s4 =	sld [smem:$0x3FA3]  }
0x2a: {  	p0 =	seq.s32 s5, $0x0;
	s5 =	sld [smem:$0x3FA4]  }
0x2b: {  	s6 =	sld [smem:$0x3FA5]  }
0x2c: {  	s7 =	sld [smem:$0x3FA6]  }
0x2d: {  	s3 =	simm.s32 $0x108;
	s8 =	sld [smem:$0x3FA7]  }
0x2e: {  	s3 =	simm.s32 @!p0 $0x1082;
	s9 =	sld [smem:$0x3FA8]  }
0x2f: {  	lr =	sadd.s32 s0, s3;
	s0 =	sld [smem:$0x3F9F]  }
0x30: {  	s3 =	sld [smem:$0x3FA2]  }
0x31: {  	[smem:$0x3FAB] =	sst s10  }
0x32: {  	s10 =	sld [smem:$0x3FA9];
	_ =	sdelay $0x3  }
0x33: {  	p0 =	seq.s32 s10, $0x1;
	s10 =	sld [smem:$0x3FAB];
	_ =	sdelay $0x3  }
0x34: {  	[smem:$0x3FAB] =	sst s10  }
0x35: {  	s10 =	sld [smem:$0x3FAA];
	_ =	sdelay $0x3  }
0x36: {  	p1 =	seq.s32 s10, $0x1;
	s10 =	sld [smem:$0x3FAB];
	_ =	sdelay $0x3  }
0x37: {  	[smem:$0x3FAB] =	sst s10  }
0x38: {  	s10 =	sld [smem:$0x3FAC]  }
0x39: {  	_ = 	snop;
	(pc) =	sbr.ind lr, $3  }
0x3a: {  	_ = 	snop  }
0x3b: {  	_ = 	snop  }
0x3c: {  	p2 =	seq.s32 s10, $0x1;
	s10 =	sld [smem:$0x3FAB]  }
0x3d: {  	_ =	shalt  }
0x3e: {  	_ =	shalt  }
0x3f: {  	_ =	shalt  }
0x40: {  	_ =	shalt  }
0x41: {  	_ =	shalt  }
0x42: {  	_ =	shalt  }
0x43: {  	_ =	shalt  }
0x44: {  	_ =	shalt  }
0x45: {  	_ =	shalt  }
0x46: {  	_ =	shalt  }
0x47: {  	_ =	shalt  }
0x48: {  	_ =	shalt  }
0x49: {  	_ =	shalt  }
0x4a: {  	_ =	shalt  }
0x4b: {  	_ =	shalt  }
0x4c: {  	_ =	shalt  }
0x4d: {  	_ =	shalt  }
0x4e: {  	_ =	shalt  }
0x4f: {  	_ =	shalt  }
0x50: {  	_ =	shalt  }
0x51: {  	_ =	shalt  }
0x52: {  	_ =	shalt  }
0x53: {  	_ =	shalt  }
0x54: {  	_ =	shalt  }
0x55: {  	_ =	shalt  }
0x56: {  	_ =	shalt  }
0x57: {  	_ =	shalt  }
0x58: {  	_ =	shalt  }
0x59: {  	_ =	shalt  }
0x5a: {  	_ =	shalt  }
0x5b: {  	_ =	shalt  }
0x5c: {  	_ =	shalt  }
0x5d: {  	_ =	shalt  }
0x5e: {  	_ =	shalt  }
0x5f: {  	_ =	shalt  }
0x60: {  	_ =	shalt  }
0x61: {  	_ =	shalt  }
0x62: {  	_ =	shalt  }
0x63: {  	_ =	shalt  }
0x64: {  	_ =	shalt  }
0x65: {  	_ =	shalt  }
0x66: {  	_ =	shalt  }
0x67: {  	_ =	shalt  }
0x68: {  	_ =	shalt  }
0x69: {  	_ =	shalt  }
0x6a: {  	_ =	shalt  }
0x6b: {  	_ =	shalt  }
0x6c: {  	_ =	shalt  }
0x6d: {  	_ =	shalt  }
0x6e: {  	_ =	shalt  }
0x6f: {  	_ =	shalt  }
0x70: {  	_ =	shalt  }
0x71: {  	_ =	shalt  }
0x72: {  	_ =	shalt  }
0x73: {  	_ =	shalt  }
0x74: {  	_ =	shalt  }
0x75: {  	_ =	shalt  }
0x76: {  	_ =	shalt  }
0x77: {  	_ =	shalt  }
0x78: {  	_ =	shalt  }
0x79: {  	_ =	shalt  }
0x7a: {  	_ =	shalt  }
0x7b: {  	_ =	shalt  }
0x7c: {  	_ =	shalt  }
0x7d: {  	_ =	shalt  }
0x7e: {  	_ =	shalt  }
0x7f: {  	_ =	shalt  }
0x80: {  	_ =	shalt  }
0x81: {  	_ =	shalt  }
0x82: {  	_ =	shalt  }
0x83: {  	_ =	shalt  }
0x84: {  	_ =	shalt  }
0x85: {  	_ =	shalt  }
0x86: {  	_ =	shalt  }
0x87: {  	_ =	shalt  }
.Lfunc_end0:
.L_simem_size_0:
called_computation.3_lowered:
.L_overlay_start_0:
0x88: {  	s2 =	sld [smem:$0x3FD9]  }
0x89: {  	s3 =	sld [smem:$0x3FFE];
	_ =	sdelay $0x1  }
0x8a: {  	s1 =	srdreg.scid  }
0x8b: {  	s0 =	sand.u32 $0x1, s1  }
0x8c: {  	s17 =	sshll.u32 s0, $0xA;
	s2 =	sadd.s32 s3, s2  }
0x8d: {  	s2 =	sadd.s32 s2, s17  }
0x8e: {  	[smem:$0x3FB7] =	sst s2  }
0x8f: {  	_ = 	snop  }
0x90: {  	s2 =	sld [smem:$0x3FC9]  }
0x91: {  	s18 =	sld [smem:$0x3FD0];
	(tm) =	ssettm $0x1  }
0x92: {  	s4 =	sld [smem:$0x3FFB];
	_ =	sdelay $0x3  }
0x93: {  	_ =	strace s4  }
0x94: {  	s4 =	sld [smem:$0x3FFC];
	_ =	sdelay $0x3  }
0x95: {  	_ =	strace s4  }
0x96: {  	s4 =	sld [smem:$0x3FFD];
	_ =	sdelay $0x3  }
0x97: {  	_ =	strace s4  }
0x98: {  	_ =	strace $0x8FFFFFFF  }
0x99: {  	s19 =	sld [smem:$0x3FDB];
	_ =	sdelay $0x1  }
0x9a: {  	s5 =	simm.s32 $_scs_section_size  }
0x9b: {  	s6 =	simm.s32 $_size__tile_overlayer_lowered;
	s7 =	simm.s32 $_tile_overlayer_lowered  }
0x9c: {  	s22 =	simm.s32 $0x1BFF;
	s21 =	sshll.u32 s7, $0x1;
	s4 =	sadd.s32 s5, s19  }
0x9d: {  	s8 =	simm.s32 $0x0;
	s20 =	sshll.u32 s6, $0x1;
	s6 =	sadd.s32 s21, s4  }
0x9e: {  	[timem:s8], [sflag:s22] =	dma.local [hbm:s6], s20  }
0x9f: {  	_ =	swait.ge [sflag:s22], s20  }
0xa0: {  	s5 =	ssub.s32 $0x0, s20;
	[sflag:s22] =	ssyncset.done $0x0  }
0xa1: {  	[sflag:s22] =	ssyncadd.s32 s5;
	_ =	sdelay $0x1  }
0xa2: {  	s23 =	simm.s32 $0x1B8B  }
0xa3: {  	_ =	swait.ge [sflag:s23], $0x1  }
0xa4: {  	[sflag:s23] =	ssyncset.done $0x0  }
0xa5: {  	s25 =	simm.s32 $0x1B8E;
	s24 =	sld [smem:$0x3FFE];
	[sflag:s23] =	ssyncadd.s32 $0xFFFFFFFF  }
0xa6: {  	s26 =	simm.s32 $execute0_lowered;
	[smem:$0x3FD2] =	sst s25  }
0xa7: {  	s6 =	sshll.u32 s26, $0x1;
	_ =	strace $0x8000004F;
	[dreg:$0x1] =	wrdreg $0xFFFFFFFF  }
0xa8: {  	s28 =	simm.s32 $_size_execute0_lowered;
	s4 =	sadd.s32 s4, s6;
	[dreg:$0x0] =	wrdreg $0x0  }
0xa9: {  	s6 =	sshll.u32 s28, $0x1;
	[dreg:$0x2] =	wrdreg s4  }
0xaa: {  	[dreg:$0x3] =	wrdreg s6  }
0xab: {  	[dreg:$0x4] =	wrdreg $0xC0  }
0xac: {  	_ =	task [dreg:s8], $0x5FFFF  }
0xad: {  	[dreg:$0x1] =	wrdreg $0xFFFFFFFF  }
0xae: {  	[dreg:$0x0] =	wrdreg $0x60  }
0xaf: {  	[dreg:$0x2] =	wrdreg s24  }
0xb0: {  	[dreg:$0x3] =	wrdreg s2  }
0xb1: {  	[dreg:$0x4] =	wrdreg s18  }
0xb2: {  	[dreg:$0x5] =	wrdreg $0x9  }
0xb3: {  	_ =	task.clear_ibuf [dreg:s8], $0x6FFFF;
	_ =	strace $0x9000004F  }
0xb4: {  	s29 =	simm.s32 $0x9;
	_ =	strace $0x80000051  }
0xb5: {  	_ =	swait.ge [sflag:s29], $0x1  }
0xb6: {  	[sflag:s29] =	ssyncadd.s32 $0xFFFFFFFF  }
0xb7: {  	_ =	strace $0x90000051  }
0xb8: {  	_ =	sfence  }
0xb9: {  	s30 =	sld [smem:$0x0];
	_ =	sdelay $0x2  }
0xba: {  	s31 =	sshll.u32 s1, $0xD;
	s1 =	sshrl.u32 s1, $0x2  }
0xbb: {  	s3 =	sand.u32 $0x4000, s31;
	s1 =	sadd.s32 s1, s30  }
0xbc: {  	s0 =	sor.u32 s3, s0;
	s1 =	sshll.u32 s1, $0x11  }
0xbd: {  	s0 =	sor.u32 s1, s0  }
0xbe: {  	s0 =	sadd.s32 $0x8F2B, s0  }
0xbf: {  	[sflag:s0] =	ssyncadd.remote.s32 $0x1  }
0xc0: {  	_ =	sfence.sel $0xFFFF  }
0xc1: {  	[dreg:$0x0] =	wrdreg $0xFFFFFFFF;
	(pc) =	sbr.abs _section_cstart, $3  }
0xc2: {  	[dreg:$0x1] =	wrdreg $0xFFFFFFFF  }
0xc3: {  	_ =	task.clear_ibuf [dreg:s8], $0x2FFFF;
	_ =	strace $0x9FFFFFFF  }
0xc4: {  	(tm) =	ssettm $0x7FFFFFFF  }
0xc5: {  	_ =	shalt  }
tec
execute0_lowered:
.L_overlay_start_1:
0x0: {  	(tag) =	ssettag $0x1  }
0x1: {  	s0 =	srdreg.scid;
	s1 =	rddreg [dreg:$0x0]  }
0x2: {  	s2 =	stileid.u32;
	s6 =	rddreg [dreg:$0x2]  }
0x3: {  	s30 =	simm.s32 $0x1;
	s11 =	simm.s32 $0x80;
	s13 =	simm.s32 $0x1080  }
0x4: {  	s14 =	simm.s32 $0x1880;
	s15 =	simm.s32 $0x2080;
	s16 =	simm.s32 $0x2880  }
0x5: {  	s17 =	simm.s32 $0x3080;
	s18 =	simm.s32 $0x3880;
	s19 =	simm.s32 $0x4080  }
0x6: {  	s20 =	simm.s32 $0x4880;
	s21 =	simm.s32 $0x5080;
	s22 =	simm.s32 $0x5880  }
0x7: {  	s28 =	simm.s32 $0x8080;
	s29 =	simm.s32 $0x8880;
	s31 =	simm.s32 $0x9080  }
0x8: {  	s12 =	simm.s32 $0x40;
	s0 =	sand.u32 $0x1, s0;
	s2 =	sshll.u32 s2, $0x7  }
0x9: {  	s4 =	sadd.s32 $0xCEC00, s1;
	s3 =	sshll.u32 s0, $0x6;
	s0 =	ssub.s32 $0x2, s0  }
0xa: {  	s2 =	sor.u32 s3, s2;
	s3 =	simm.s32 $0x0;
	s10 =	sshrl.u32 s0, $0x1  }
0xb: {  	s7 =	sshrl.u32 s2, $0x3;
	[smem:$0x7FF] =	sst s3;
	s2 =	sshll.u32 s2, $0x4  }
0xc: {  	s0 =	ssub.s32 s0, s10;
	s10 =	simm.s32 $0x2;
	s5 =	smul.u32 $0x500, s7  }
0xd: {  	_ =	strace $0x80000050;
	s8 =	sadd.s32 s7, s1;
	s7 =	sadd.s32 s6, s7  }
0xe: {  	s2 =	sadd.s32 s2, s1;
	s9 =	sadd.s32 $0x1E00, s8;
	[dreg:$0xa] =	wrdreg s7  }
0xf: {  	s6 =	sadd.s32 $0xCEE00, s1;
	s24 =	sadd.s32 $0x1A00, s8;
	[dreg:$0x4] =	wrdreg s9  }
0x10: {  	s25 =	sadd.s32 $0x52000, s2;
	s8 =	sadd.s32 $0x1C00, s8;
	[dreg:$0x6] =	wrdreg s24  }
0x11: {  	s2 =	sadd.s32 $0x5A000, s2;
	s7 =	sadd.s32 $0xCEF00, s1;
	[dreg:$0x7] =	wrdreg s25  }
0x12: {  	s5 =	sadd.s32 s5, s1;
	[dreg:$0x8] =	wrdreg s8;
	s8 =	sadd.s32 $0xCF000, s1  }
0x13: {  	[dreg:$0xb] =	wrdreg s2;
	s9 =	smax.u32 s0, $0x1;
	s24 =	simm.s32 $0x6880  }
0x14: {  	v2 =	vlaneseq.u32;
	s25 =	simm.s32 $0x7080;
	s23 =	sadd.s32 $0x2000, s5;
	s26 =	sadd.s32 $0x62000, s5  }
0x15: {  	vm0 =	vmmov $0xffff;
	v1 =	vshrl.u32 v2, $0x3;
	s5 =	sadd.s32 $0xCED00, s1;
	s1 =	simm.s32 $0x14080;
	[dreg:$0x5] =	wrdreg s23  }
0x16: {  	v0 =	vand.u32 $0x7, v2;
	v2 =	vor.u32 $0x8, v2;
	v1 =	vmul.u32 $0x8, v1;
	[dreg:$0x9] =	wrdreg s26;
	s23 =	simm.s32 $0x6080;
	s26 =	simm.s32 $0x7880  }
.LBB2_1:
0x17: {  	s0 =	rddreg [dreg:$0x4]  }
0x18: {  	[tilespmem:s3], [sflag:$0x2] =	stream.linear.gather [hbm4b:s0+s3], $0x40, $0x38;
	[tilespmem:$0x16080] =	vst v63  }
0x19: {  	_ =	swait.ge [sflag:s10], $0x40  }
0x1a: {  	[sflag:s10] =	ssyncset.done $0x0  }
0x1b: {  	[sflag:s10] =	ssyncadd.s32 $0xFFFFFFC0  }
0x1c: {  	v3 =	vld [tilespmem:$0x0];
	_ =	sdelay $0x4  }
0x1d: {  	v4 =	vshrl.u32 v3, $0x3  }
0x1e: {  	v4 =	vmul.u32 $0x50, v4  }
0x1f: {  	v3 =	vand.u32 $0x7, v3  }
0x20: {  	v3 =	vor.u32 v3, v4  }
0x21: {  	v4 =	vperm.xlane v3, v0;
	_ =	sdelay $0x1  }
0x22: {  	v4 =	vadd.s32 v1, v4;
	_ =	sdelay $0x4  }
0x23: {  	[tilespmem:s11], [sflag:$0x1] =	stream.indirect_vreg.gather [hbm4b:s4+s3], $0x80, v4, vm0, $0xb8;
	[tilespmem:$0x16080] =	vst v63  }
0x24: {  	s2 =	simm.s32 $0x880  }
0x25: {  	[tilespmem:s2], [sflag:$0x1] =	stream.indirect_vreg.gather [hbm4b:s5+s3], $0x80, v4, vm0, $0xb8;
	[tilespmem:$0x16080] =	vst v63  }
0x26: {  	v3 =	vperm.xlane v3, v2  }
0x27: {  	[tilespmem:s13], [sflag:$0x1] =	stream.indirect_vreg.gather [hbm4b:s6+s3], $0x80, v4, vm0, $0xb8;
	[tilespmem:$0x16080] =	vst v63  }
0x28: {  	v3 =	vadd.s32 v1, v3  }
0x29: {  	[tilespmem:s14], [sflag:$0x1] =	stream.indirect_vreg.gather [hbm4b:s7+s3], $0x80, v4, vm0, $0xb8;
	[tilespmem:$0x16080] =	vst v63  }
0x2a: {  	_ = 	snop  }
0x2b: {  	[tilespmem:s15], [sflag:$0x1] =	stream.indirect_vreg.gather [hbm4b:s8+s3], $0x80, v4, vm0, $0xb8;
	[tilespmem:$0x16080] =	vst v63  }
0x2c: {  	_ = 	snop  }
0x2d: {  	[tilespmem:s16], [sflag:$0x1] =	stream.indirect_vreg.gather [hbm4b:s4+s3], $0x80, v3, vm0, $0xb8;
	[tilespmem:$0x16080] =	vst v63  }
0x2e: {  	_ = 	snop  }
0x2f: {  	[tilespmem:s17], [sflag:$0x1] =	stream.indirect_vreg.gather [hbm4b:s5+s3], $0x80, v3, vm0, $0xb8;
	[tilespmem:$0x16080] =	vst v63  }
0x30: {  	_ = 	snop  }
0x31: {  	[tilespmem:s18], [sflag:$0x1] =	stream.indirect_vreg.gather [hbm4b:s6+s3], $0x80, v3, vm0, $0xb8;
	[tilespmem:$0x16080] =	vst v63  }
0x32: {  	_ = 	snop  }
0x33: {  	[tilespmem:s19], [sflag:$0x1] =	stream.indirect_vreg.gather [hbm4b:s7+s3], $0x80, v3, vm0, $0xb8;
	[tilespmem:$0x16080] =	vst v63  }
0x34: {  	_ = 	snop  }
0x35: {  	[tilespmem:s20], [sflag:$0x1] =	stream.indirect_vreg.gather [hbm4b:s8+s3], $0x80, v3, vm0, $0xb8;
	[tilespmem:$0x16080] =	vst v63  }
0x36: {  	v3 =	vld [tilespmem:$0x10];
	_ =	sdelay $0x4  }
0x37: {  	v57 =	vshrl.u32 v3, $0x3  }
0x38: {  	v4 =	vmul.u32 $0x50, v57  }
0x39: {  	v3 =	vand.u32 $0x7, v3  }
0x3a: {  	v3 =	vor.u32 v3, v4  }
0x3b: {  	v4 =	vperm.xlane v3, v0;
	_ =	sdelay $0x1  }
0x3c: {  	v4 =	vadd.s32 v1, v4;
	_ =	sdelay $0x4  }
0x3d: {  	[tilespmem:s21], [sflag:$0x1] =	stream.indirect_vreg.gather [hbm4b:s4+s3], $0x80, v4, vm0, $0xb8;
	[tilespmem:$0x16080] =	vst v63  }
0x3e: {  	_ = 	snop  }
0x3f: {  	[tilespmem:s22], [sflag:$0x1] =	stream.indirect_vreg.gather [hbm4b:s5+s3], $0x80, v4, vm0, $0xb8;
	[tilespmem:$0x16080] =	vst v63  }
0x40: {  	v3 =	vperm.xlane v3, v2  }
0x41: {  	[tilespmem:s23], [sflag:$0x1] =	stream.indirect_vreg.gather [hbm4b:s6+s3], $0x80, v4, vm0, $0xb8;
	[tilespmem:$0x16080] =	vst v63  }
0x42: {  	v3 =	vadd.s32 v1, v3  }
0x43: {  	[tilespmem:s24], [sflag:$0x1] =	stream.indirect_vreg.gather [hbm4b:s7+s3], $0x80, v4, vm0, $0xb8;
	[tilespmem:$0x16080] =	vst v63  }
0x44: {  	_ = 	snop  }
0x45: {  	[tilespmem:s25], [sflag:$0x1] =	stream.indirect_vreg.gather [hbm4b:s8+s3], $0x80, v4, vm0, $0xb8;
	[tilespmem:$0x16080] =	vst v63  }
0x46: {  	_ = 	snop  }
0x47: {  	[tilespmem:s26], [sflag:$0x1] =	stream.indirect_vreg.gather [hbm4b:s4+s3], $0x80, v3, vm0, $0xb8;
	[tilespmem:$0x16080] =	vst v63  }
0x48: {  	_ = 	snop  }
0x49: {  	[tilespmem:s28], [sflag:$0x1] =	stream.indirect_vreg.gather [hbm4b:s5+s3], $0x80, v3, vm0, $0xb8;
	[tilespmem:$0x16080] =	vst v63  }
0x4a: {  	_ = 	snop  }
0x4b: {  	[tilespmem:s29], [sflag:$0x1] =	stream.indirect_vreg.gather [hbm4b:s6+s3], $0x80, v3, vm0, $0xb8;
	[tilespmem:$0x16080] =	vst v63  }
0x4c: {  	_ = 	snop  }
0x4d: {  	[tilespmem:s31], [sflag:$0x1] =	stream.indirect_vreg.gather [hbm4b:s7+s3], $0x80, v3, vm0, $0xb8;
	[tilespmem:$0x16080] =	vst v63  }
0x4e: {  	s2 =	simm.s32 $0x9880  }
0x4f: {  	[tilespmem:s2], [sflag:$0x1] =	stream.indirect_vreg.gather [hbm4b:s8+s3], $0x80, v3, vm0, $0xb8;
	[tilespmem:$0x16080] =	vst v63  }
0x50: {  	v3 =	vld [tilespmem:$0x20];
	_ =	sdelay $0x4  }
0x51: {  	v58 =	vshrl.u32 v3, $0x3  }
0x52: {  	v4 =	vmul.u32 $0x50, v58  }
0x53: {  	v3 =	vand.u32 $0x7, v3  }
0x54: {  	v3 =	vor.u32 v3, v4  }
0x55: {  	v4 =	vperm.xlane v3, v0;
	_ =	sdelay $0x1  }
0x56: {  	v4 =	vadd.s32 v1, v4;
	_ =	sdelay $0x3  }
0x57: {  	s2 =	simm.s32 $0xA080  }
0x58: {  	[tilespmem:s2], [sflag:$0x1] =	stream.indirect_vreg.gather [hbm4b:s4+s3], $0x80, v4, vm0, $0xb8;
	[tilespmem:$0x16080] =	vst v63  }
0x59: {  	s2 =	simm.s32 $0xA880  }
0x5a: {  	[tilespmem:s2], [sflag:$0x1] =	stream.indirect_vreg.gather [hbm4b:s5+s3], $0x80, v4, vm0, $0xb8;
	[tilespmem:$0x16080] =	vst v63  }
0x5b: {  	v3 =	vperm.xlane v3, v2;
	s2 =	simm.s32 $0xB080  }
0x5c: {  	[tilespmem:s2], [sflag:$0x1] =	stream.indirect_vreg.gather [hbm4b:s6+s3], $0x80, v4, vm0, $0xb8;
	[tilespmem:$0x16080] =	vst v63  }
0x5d: {  	v3 =	vadd.s32 v1, v3;
	s2 =	simm.s32 $0xB880  }
0x5e: {  	[tilespmem:s2], [sflag:$0x1] =	stream.indirect_vreg.gather [hbm4b:s7+s3], $0x80, v4, vm0, $0xb8;
	[tilespmem:$0x16080] =	vst v63  }
0x5f: {  	s2 =	simm.s32 $0xC080  }
0x60: {  	[tilespmem:s2], [sflag:$0x1] =	stream.indirect_vreg.gather [hbm4b:s8+s3], $0x80, v4, vm0, $0xb8;
	[tilespmem:$0x16080] =	vst v63  }
0x61: {  	s2 =	simm.s32 $0xC880  }
0x62: {  	[tilespmem:s2], [sflag:$0x1] =	stream.indirect_vreg.gather [hbm4b:s4+s3], $0x80, v3, vm0, $0xb8;
	[tilespmem:$0x16080] =	vst v63  }
0x63: {  	s2 =	simm.s32 $0xD080  }
0x64: {  	[tilespmem:s2], [sflag:$0x1] =	stream.indirect_vreg.gather [hbm4b:s5+s3], $0x80, v3, vm0, $0xb8;
	[tilespmem:$0x16080] =	vst v63  }
0x65: {  	s2 =	simm.s32 $0xD880  }
0x66: {  	[tilespmem:s2], [sflag:$0x1] =	stream.indirect_vreg.gather [hbm4b:s6+s3], $0x80, v3, vm0, $0xb8;
	[tilespmem:$0x16080] =	vst v63  }
0x67: {  	s2 =	simm.s32 $0xE080  }
0x68: {  	[tilespmem:s2], [sflag:$0x1] =	stream.indirect_vreg.gather [hbm4b:s7+s3], $0x80, v3, vm0, $0xb8;
	[tilespmem:$0x16080] =	vst v63  }
0x69: {  	s2 =	simm.s32 $0xE880  }
0x6a: {  	[tilespmem:s2], [sflag:$0x1] =	stream.indirect_vreg.gather [hbm4b:s8+s3], $0x80, v3, vm0, $0xb8;
	[tilespmem:$0x16080] =	vst v63  }
0x6b: {  	v3 =	vld [tilespmem:$0x30];
	_ =	sdelay $0x4  }
0x6c: {  	v59 =	vshrl.u32 v3, $0x3  }
0x6d: {  	v4 =	vmul.u32 $0x50, v59  }
0x6e: {  	v3 =	vand.u32 $0x7, v3  }
0x6f: {  	v3 =	vor.u32 v3, v4  }
0x70: {  	v4 =	vperm.xlane v3, v0;
	_ =	sdelay $0x1  }
0x71: {  	v4 =	vadd.s32 v1, v4;
	_ =	sdelay $0x3  }
0x72: {  	s2 =	simm.s32 $0xF080  }
0x73: {  	[tilespmem:s2], [sflag:$0x1] =	stream.indirect_vreg.gather [hbm4b:s4+s3], $0x80, v4, vm0, $0xb8;
	[tilespmem:$0x16080] =	vst v63  }
0x74: {  	s2 =	simm.s32 $0xF880  }
0x75: {  	[tilespmem:s2], [sflag:$0x1] =	stream.indirect_vreg.gather [hbm4b:s5+s3], $0x80, v4, vm0, $0xb8;
	[tilespmem:$0x16080] =	vst v63  }
0x76: {  	v3 =	vperm.xlane v3, v2;
	s2 =	simm.s32 $0x10080  }
0x77: {  	[tilespmem:s2], [sflag:$0x1] =	stream.indirect_vreg.gather [hbm4b:s6+s3], $0x80, v4, vm0, $0xb8;
	[tilespmem:$0x16080] =	vst v63  }
0x78: {  	v3 =	vadd.s32 v1, v3;
	s2 =	simm.s32 $0x10880  }
0x79: {  	[tilespmem:s2], [sflag:$0x1] =	stream.indirect_vreg.gather [hbm4b:s7+s3], $0x80, v4, vm0, $0xb8;
	[tilespmem:$0x16080] =	vst v63  }
0x7a: {  	s2 =	simm.s32 $0x11080  }
0x7b: {  	[tilespmem:s2], [sflag:$0x1] =	stream.indirect_vreg.gather [hbm4b:s8+s3], $0x80, v4, vm0, $0xb8;
	[tilespmem:$0x16080] =	vst v63  }
0x7c: {  	s2 =	simm.s32 $0x11880  }
0x7d: {  	[tilespmem:s2], [sflag:$0x1] =	stream.indirect_vreg.gather [hbm4b:s4+s3], $0x80, v3, vm0, $0xb8;
	[tilespmem:$0x16080] =	vst v63  }
0x7e: {  	s2 =	simm.s32 $0x12080  }
0x7f: {  	[tilespmem:s2], [sflag:$0x1] =	stream.indirect_vreg.gather [hbm4b:s5+s3], $0x80, v3, vm0, $0xb8;
	[tilespmem:$0x16080] =	vst v63  }
0x80: {  	s2 =	simm.s32 $0x12880  }
0x81: {  	[tilespmem:s2], [sflag:$0x1] =	stream.indirect_vreg.gather [hbm4b:s6+s3], $0x80, v3, vm0, $0xb8;
	[tilespmem:$0x16080] =	vst v63  }
0x82: {  	s2 =	simm.s32 $0x13080  }
0x83: {  	[tilespmem:s2], [sflag:$0x1] =	stream.indirect_vreg.gather [hbm4b:s7+s3], $0x80, v3, vm0, $0xb8;
	[tilespmem:$0x16080] =	vst v63  }
0x84: {  	s2 =	simm.s32 $0x13880  }
0x85: {  	[tilespmem:s2], [sflag:$0x1] =	stream.indirect_vreg.gather [hbm4b:s8+s3], $0x80, v3, vm0, $0xb8;
	[tilespmem:$0x16080] =	vst v63  }
0x86: {  	_ =	swait.ge [sflag:s30], $0x14000  }
0x87: {  	[sflag:s30] =	ssyncset.done $0x0  }
0x88: {  	s2 =	rddreg [dreg:$0x5];
	[sflag:s30] =	ssyncadd.s32 $0xFFFEC000  }
0x89: {  	[hbm4b:s2+s3] =	stream.linear.scatter [tilespmem:s11], [sflag:$0x2], $0x14000, $0x38;
	[tilespmem:$0x16080] =	vst v63  }
0x8a: {  	_ =	swait.ge [sflag:s10], $0x14000  }
0x8b: {  	[sflag:s10] =	ssyncset.done $0x0  }
0x8c: {  	s2 =	rddreg [dreg:$0x6];
	[sflag:s10] =	ssyncadd.s32 $0xFFFEC000  }
0x8d: {  	[tilespmem:s3], [sflag:$0x2] =	stream.linear.gather [hbm4b:s2+s3], $0x40, $0x38;
	[tilespmem:$0x16080] =	vst v63  }
0x8e: {  	_ =	swait.ge [sflag:s10], $0x40  }
0x8f: {  	[sflag:s10] =	ssyncset.done $0x0  }
0x90: {  	[sflag:s10] =	ssyncadd.s32 $0xFFFFFFC0  }
0x91: {  	s2 =	rddreg [dreg:$0x1]  }
0x92: {  	[tilespmem:s1], [sflag:$0x1] =	stream.indirect.gather [hbm4b:s2+s12], $0x80, s3, s12, $0xb8;
	[tilespmem:$0x16080] =	vst v63  }
0x93: {  	_ =	swait.ge [sflag:s30], $0x2000  }
0x94: {  	[sflag:s30] =	ssyncset.done $0x0  }
0x95: {  	s0 =	rddreg [dreg:$0x7];
	[sflag:s30] =	ssyncadd.s32 $0xFFFFE000  }
0x96: {  	[hbm4b:s0+s3] =	stream.linear.scatter [tilespmem:s1], [sflag:$0x2], $0x2000, $0x38;
	[tilespmem:$0x16080] =	vst v63  }
0x97: {  	_ =	swait.ge [sflag:s10], $0x2000  }
0x98: {  	[sflag:s10] =	ssyncset.done $0x0  }
0x99: {  	s0 =	rddreg [dreg:$0x8];
	[sflag:s10] =	ssyncadd.s32 $0xFFFFE000  }
0x9a: {  	[tilespmem:s3], [sflag:$0x2] =	stream.linear.gather [hbm4b:s0+s3], $0x40, $0x38;
	[tilespmem:$0x16080] =	vst v63  }
0x9b: {  	_ =	swait.ge [sflag:s10], $0x40  }
0x9c: {  	[sflag:s10] =	ssyncset.done $0x0  }
0x9d: {  	[sflag:s10] =	ssyncadd.s32 $0xFFFFFFC0  }
0x9e: {  	v3 =	vld [tilespmem:$0x0];
	_ =	sdelay $0x4  }
0x9f: {  	v60 =	vshrl.u32 v3, $0x3  }
0xa0: {  	v4 =	vmul.u32 $0x50, v60  }
0xa1: {  	v3 =	vand.u32 $0x7, v3  }
0xa2: {  	v3 =	vor.u32 v3, v4  }
0xa3: {  	v4 =	vperm.xlane v3, v0;
	_ =	sdelay $0x1  }
0xa4: {  	v4 =	vadd.s32 v1, v4;
	_ =	sdelay $0x4  }
0xa5: {  	[tilespmem:s11], [sflag:$0x1] =	stream.indirect_vreg.gather [hbm4b:s4+s3], $0x80, v4, vm0, $0xb8;
	[tilespmem:$0x16080] =	vst v63  }
0xa6: {  	s0 =	simm.s32 $0x880  }
0xa7: {  	[tilespmem:s0], [sflag:$0x1] =	stream.indirect_vreg.gather [hbm4b:s5+s3], $0x80, v4, vm0, $0xb8;
	[tilespmem:$0x16080] =	vst v63  }
0xa8: {  	v3 =	vperm.xlane v3, v2  }
0xa9: {  	[tilespmem:s13], [sflag:$0x1] =	stream.indirect_vreg.gather [hbm4b:s6+s3], $0x80, v4, vm0, $0xb8;
	[tilespmem:$0x16080] =	vst v63  }
0xaa: {  	v3 =	vadd.s32 v1, v3  }
0xab: {  	[tilespmem:s14], [sflag:$0x1] =	stream.indirect_vreg.gather [hbm4b:s7+s3], $0x80, v4, vm0, $0xb8;
	[tilespmem:$0x16080] =	vst v63  }
0xac: {  	_ = 	snop  }
0xad: {  	[tilespmem:s15], [sflag:$0x1] =	stream.indirect_vreg.gather [hbm4b:s8+s3], $0x80, v4, vm0, $0xb8;
	[tilespmem:$0x16080] =	vst v63  }
0xae: {  	_ = 	snop  }
0xaf: {  	[tilespmem:s16], [sflag:$0x1] =	stream.indirect_vreg.gather [hbm4b:s4+s3], $0x80, v3, vm0, $0xb8;
	[tilespmem:$0x16080] =	vst v63  }
0xb0: {  	_ = 	snop  }
0xb1: {  	[tilespmem:s17], [sflag:$0x1] =	stream.indirect_vreg.gather [hbm4b:s5+s3], $0x80, v3, vm0, $0xb8;
	[tilespmem:$0x16080] =	vst v63  }
0xb2: {  	_ = 	snop  }
0xb3: {  	[tilespmem:s18], [sflag:$0x1] =	stream.indirect_vreg.gather [hbm4b:s6+s3], $0x80, v3, vm0, $0xb8;
	[tilespmem:$0x16080] =	vst v63  }
0xb4: {  	_ = 	snop  }
0xb5: {  	[tilespmem:s19], [sflag:$0x1] =	stream.indirect_vreg.gather [hbm4b:s7+s3], $0x80, v3, vm0, $0xb8;
	[tilespmem:$0x16080] =	vst v63  }
0xb6: {  	_ = 	snop  }
0xb7: {  	[tilespmem:s20], [sflag:$0x1] =	stream.indirect_vreg.gather [hbm4b:s8+s3], $0x80, v3, vm0, $0xb8;
	[tilespmem:$0x16080] =	vst v63  }
0xb8: {  	v3 =	vld [tilespmem:$0x10];
	_ =	sdelay $0x4  }
0xb9: {  	v61 =	vshrl.u32 v3, $0x3  }
0xba: {  	v4 =	vmul.u32 $0x50, v61  }
0xbb: {  	v3 =	vand.u32 $0x7, v3  }
0xbc: {  	v3 =	vor.u32 v3, v4  }
0xbd: {  	v4 =	vperm.xlane v3, v0;
	_ =	sdelay $0x1  }
0xbe: {  	v4 =	vadd.s32 v1, v4;
	_ =	sdelay $0x4  }
0xbf: {  	[tilespmem:s21], [sflag:$0x1] =	stream.indirect_vreg.gather [hbm4b:s4+s3], $0x80, v4, vm0, $0xb8;
	[tilespmem:$0x16080] =	vst v63  }
0xc0: {  	_ = 	snop  }
0xc1: {  	[tilespmem:s22], [sflag:$0x1] =	stream.indirect_vreg.gather [hbm4b:s5+s3], $0x80, v4, vm0, $0xb8;
	[tilespmem:$0x16080] =	vst v63  }
0xc2: {  	v3 =	vperm.xlane v3, v2  }
0xc3: {  	[tilespmem:s23], [sflag:$0x1] =	stream.indirect_vreg.gather [hbm4b:s6+s3], $0x80, v4, vm0, $0xb8;
	[tilespmem:$0x16080] =	vst v63  }
0xc4: {  	v3 =	vadd.s32 v1, v3  }
0xc5: {  	[tilespmem:s24], [sflag:$0x1] =	stream.indirect_vreg.gather [hbm4b:s7+s3], $0x80, v4, vm0, $0xb8;
	[tilespmem:$0x16080] =	vst v63  }
0xc6: {  	_ = 	snop  }
0xc7: {  	[tilespmem:s25], [sflag:$0x1] =	stream.indirect_vreg.gather [hbm4b:s8+s3], $0x80, v4, vm0, $0xb8;
	[tilespmem:$0x16080] =	vst v63  }
0xc8: {  	_ = 	snop  }
0xc9: {  	[tilespmem:s26], [sflag:$0x1] =	stream.indirect_vreg.gather [hbm4b:s4+s3], $0x80, v3, vm0, $0xb8;
	[tilespmem:$0x16080] =	vst v63  }
0xca: {  	_ = 	snop  }
0xcb: {  	[tilespmem:s28], [sflag:$0x1] =	stream.indirect_vreg.gather [hbm4b:s5+s3], $0x80, v3, vm0, $0xb8;
	[tilespmem:$0x16080] =	vst v63  }
0xcc: {  	_ = 	snop  }
0xcd: {  	[tilespmem:s29], [sflag:$0x1] =	stream.indirect_vreg.gather [hbm4b:s6+s3], $0x80, v3, vm0, $0xb8;
	[tilespmem:$0x16080] =	vst v63  }
0xce: {  	_ = 	snop  }
0xcf: {  	[tilespmem:s31], [sflag:$0x1] =	stream.indirect_vreg.gather [hbm4b:s7+s3], $0x80, v3, vm0, $0xb8;
	[tilespmem:$0x16080] =	vst v63  }
0xd0: {  	s0 =	simm.s32 $0x9880  }
0xd1: {  	[tilespmem:s0], [sflag:$0x1] =	stream.indirect_vreg.gather [hbm4b:s8+s3], $0x80, v3, vm0, $0xb8;
	[tilespmem:$0x16080] =	vst v63  }
0xd2: {  	v3 =	vld [tilespmem:$0x20];
	_ =	sdelay $0x4  }
0xd3: {  	v62 =	vshrl.u32 v3, $0x3  }
0xd4: {  	v4 =	vmul.u32 $0x50, v62  }
0xd5: {  	v3 =	vand.u32 $0x7, v3  }
0xd6: {  	v3 =	vor.u32 v3, v4  }
0xd7: {  	v4 =	vperm.xlane v3, v0;
	_ =	sdelay $0x1  }
0xd8: {  	v4 =	vadd.s32 v1, v4;
	_ =	sdelay $0x3  }
0xd9: {  	s0 =	simm.s32 $0xA080  }
0xda: {  	[tilespmem:s0], [sflag:$0x1] =	stream.indirect_vreg.gather [hbm4b:s4+s3], $0x80, v4, vm0, $0xb8;
	[tilespmem:$0x16080] =	vst v63  }
0xdb: {  	s0 =	simm.s32 $0xA880  }
0xdc: {  	[tilespmem:s0], [sflag:$0x1] =	stream.indirect_vreg.gather [hbm4b:s5+s3], $0x80, v4, vm0, $0xb8;
	[tilespmem:$0x16080] =	vst v63  }
0xdd: {  	v3 =	vperm.xlane v3, v2;
	s0 =	simm.s32 $0xB080  }
0xde: {  	[tilespmem:s0], [sflag:$0x1] =	stream.indirect_vreg.gather [hbm4b:s6+s3], $0x80, v4, vm0, $0xb8;
	[tilespmem:$0x16080] =	vst v63  }
0xdf: {  	v3 =	vadd.s32 v1, v3;
	s0 =	simm.s32 $0xB880  }
0xe0: {  	[tilespmem:s0], [sflag:$0x1] =	stream.indirect_vreg.gather [hbm4b:s7+s3], $0x80, v4, vm0, $0xb8;
	[tilespmem:$0x16080] =	vst v63  }
0xe1: {  	s0 =	simm.s32 $0xC080  }
0xe2: {  	[tilespmem:s0], [sflag:$0x1] =	stream.indirect_vreg.gather [hbm4b:s8+s3], $0x80, v4, vm0, $0xb8;
	[tilespmem:$0x16080] =	vst v63  }
0xe3: {  	s0 =	simm.s32 $0xC880  }
0xe4: {  	[tilespmem:s0], [sflag:$0x1] =	stream.indirect_vreg.gather [hbm4b:s4+s3], $0x80, v3, vm0, $0xb8;
	[tilespmem:$0x16080] =	vst v63  }
0xe5: {  	s0 =	simm.s32 $0xD080  }
0xe6: {  	[tilespmem:s0], [sflag:$0x1] =	stream.indirect_vreg.gather [hbm4b:s5+s3], $0x80, v3, vm0, $0xb8;
	[tilespmem:$0x16080] =	vst v63  }
0xe7: {  	s0 =	simm.s32 $0xD880  }
0xe8: {  	[tilespmem:s0], [sflag:$0x1] =	stream.indirect_vreg.gather [hbm4b:s6+s3], $0x80, v3, vm0, $0xb8;
	[tilespmem:$0x16080] =	vst v63  }
0xe9: {  	s0 =	simm.s32 $0xE080  }
0xea: {  	[tilespmem:s0], [sflag:$0x1] =	stream.indirect_vreg.gather [hbm4b:s7+s3], $0x80, v3, vm0, $0xb8;
	[tilespmem:$0x16080] =	vst v63  }
0xeb: {  	s0 =	simm.s32 $0xE880  }
0xec: {  	[tilespmem:s0], [sflag:$0x1] =	stream.indirect_vreg.gather [hbm4b:s8+s3], $0x80, v3, vm0, $0xb8;
	[tilespmem:$0x16080] =	vst v63  }
0xed: {  	v3 =	vld [tilespmem:$0x30];
	_ =	sdelay $0x4  }
0xee: {  	v63 =	vshrl.u32 v3, $0x3  }
0xef: {  	v4 =	vmul.u32 $0x50, v63  }
0xf0: {  	v3 =	vand.u32 $0x7, v3  }
0xf1: {  	v3 =	vor.u32 v3, v4  }
0xf2: {  	v4 =	vperm.xlane v3, v0;
	_ =	sdelay $0x1  }
0xf3: {  	v4 =	vadd.s32 v1, v4;
	_ =	sdelay $0x3  }
0xf4: {  	s0 =	simm.s32 $0xF080  }
0xf5: {  	[tilespmem:s0], [sflag:$0x1] =	stream.indirect_vreg.gather [hbm4b:s4+s3], $0x80, v4, vm0, $0xb8;
	[tilespmem:$0x16080] =	vst v63  }
0xf6: {  	s0 =	simm.s32 $0xF880  }
0xf7: {  	[tilespmem:s0], [sflag:$0x1] =	stream.indirect_vreg.gather [hbm4b:s5+s3], $0x80, v4, vm0, $0xb8;
	[tilespmem:$0x16080] =	vst v63  }
0xf8: {  	v3 =	vperm.xlane v3, v2;
	s0 =	simm.s32 $0x10080  }
0xf9: {  	[tilespmem:s0], [sflag:$0x1] =	stream.indirect_vreg.gather [hbm4b:s6+s3], $0x80, v4, vm0, $0xb8;
	[tilespmem:$0x16080] =	vst v63  }
0xfa: {  	v3 =	vadd.s32 v1, v3;
	s0 =	simm.s32 $0x10880  }
0xfb: {  	[tilespmem:s0], [sflag:$0x1] =	stream.indirect_vreg.gather [hbm4b:s7+s3], $0x80, v4, vm0, $0xb8;
	[tilespmem:$0x16080] =	vst v63  }
0xfc: {  	s0 =	simm.s32 $0x11080  }
0xfd: {  	[tilespmem:s0], [sflag:$0x1] =	stream.indirect_vreg.gather [hbm4b:s8+s3], $0x80, v4, vm0, $0xb8;
	[tilespmem:$0x16080] =	vst v63  }
0xfe: {  	s0 =	simm.s32 $0x11880  }
0xff: {  	[tilespmem:s0], [sflag:$0x1] =	stream.indirect_vreg.gather [hbm4b:s4+s3], $0x80, v3, vm0, $0xb8;
	[tilespmem:$0x16080] =	vst v63  }
0x100: {  	s0 =	simm.s32 $0x12080  }
0x101: {  	[tilespmem:s0], [sflag:$0x1] =	stream.indirect_vreg.gather [hbm4b:s5+s3], $0x80, v3, vm0, $0xb8;
	[tilespmem:$0x16080] =	vst v63  }
0x102: {  	s0 =	simm.s32 $0x12880  }
0x103: {  	[tilespmem:s0], [sflag:$0x1] =	stream.indirect_vreg.gather [hbm4b:s6+s3], $0x80, v3, vm0, $0xb8;
	[tilespmem:$0x16080] =	vst v63  }
0x104: {  	s0 =	simm.s32 $0x13080  }
0x105: {  	[tilespmem:s0], [sflag:$0x1] =	stream.indirect_vreg.gather [hbm4b:s7+s3], $0x80, v3, vm0, $0xb8;
	[tilespmem:$0x16080] =	vst v63  }
0x106: {  	s0 =	simm.s32 $0x13880  }
0x107: {  	[tilespmem:s0], [sflag:$0x1] =	stream.indirect_vreg.gather [hbm4b:s8+s3], $0x80, v3, vm0, $0xb8;
	[tilespmem:$0x16080] =	vst v63  }
0x108: {  	_ =	swait.ge [sflag:s30], $0x14000  }
0x109: {  	[sflag:s30] =	ssyncset.done $0x0  }
0x10a: {  	s0 =	rddreg [dreg:$0x9];
	[sflag:s30] =	ssyncadd.s32 $0xFFFEC000  }
0x10b: {  	[hbm4b:s0+s3] =	stream.linear.scatter [tilespmem:s11], [sflag:$0x2], $0x14000, $0x38;
	[tilespmem:$0x16080] =	vst v63  }
0x10c: {  	_ =	swait.ge [sflag:s10], $0x14000  }
0x10d: {  	[sflag:s10] =	ssyncset.done $0x0  }
0x10e: {  	s0 =	rddreg [dreg:$0xa];
	[sflag:s10] =	ssyncadd.s32 $0xFFFEC000  }
0x10f: {  	[tilespmem:s3], [sflag:$0x2] =	stream.linear.gather [hbm4b:s0+s3], $0x40, $0x38;
	[tilespmem:$0x16080] =	vst v63  }
0x110: {  	_ =	swait.ge [sflag:s10], $0x40  }
0x111: {  	[sflag:s10] =	ssyncset.done $0x0  }
0x112: {  	[sflag:s10] =	ssyncadd.s32 $0xFFFFFFC0  }
0x113: {  	[tilespmem:s1], [sflag:$0x1] =	stream.indirect.gather [hbm4b:s2+s12], $0x80, s3, s12, $0xb8;
	[tilespmem:$0x16080] =	vst v63  }
0x114: {  	_ =	swait.ge [sflag:s30], $0x2000  }
0x115: {  	p0 =	sne.s32 s9, $0x1;
	[sflag:s30] =	ssyncset.done $0x0  }
.Ltmp0:
0x116: {  	s2 =	rddreg [dreg:$0xb];
	[sflag:s30] =	ssyncadd.s32 $0xFFFFE000;
	(pc) =	sbr.rel @p0 .LBB2_1-.Ltmp0, $4  }
0x117: {  	[hbm4b:s2+s3] =	stream.linear.scatter [tilespmem:s1], [sflag:$0x2], $0x2000, $0x38;
	[tilespmem:$0x16080] =	vst v63  }
0x118: {  	_ =	swait.ge [sflag:s10], $0x2000  }
0x119: {  	[sflag:s10] =	ssyncset.done $0x0  }
0x11a: {  	s9 =	sadd.s32 $0xFFFFFFFF, s9;
	[sflag:s10] =	ssyncadd.s32 $0xFFFFE000  }
0x11b: {  	_ =	sfence.sel $0x180000  }
0x11c: {  	[bflag:$0x0] =	sbarrier.arrive $0xFFFF  }
0x11d: {  	_ =	strace $0x90000050  }
0x11e: {  	s0 =	stileid.u32;
	[bflag:$0x2] =	sbarrier.arrive $0xFFFF  }
0x11f: {  	p0 =	sne.s32 s0, $0x0;
	s0 =	rddreg [dreg:$0x3]  }
0x120: {  	s0 =	sadd.s32 @!p0 $0x100000, s0  }
0x121: {  	[sflag:s0] =	ssyncadd.tile.s32 @!p0 $0x1;
	_ =	shalt  }
.Lfunc_end2:
_tile_overlayer_lowered:
.L_overlay_start_2:
0x122: {  	(tag) =	ssettag $0x2  }
0x123: {  	s0 =	rddreg [dreg:$0x0];
	s2 =	stileid.u32  }
0x124: {  	s1 =	rddreg [dreg:$0x1];
	p0 =	sne.s32 s2, $0x0  }
0x125: {  	s3 =	rddreg [dreg:$0x2];
	[bflag:$0x3] =	sbarrier.arrive $0xFFFF;
	s2 =	simm.s32 @!p0 $0x1C02  }
0x126: {  	[timem:s3], [sflag:s2] =	dma.local @!p0 [hbm:s0], s1  }
0x127: {  	s0 =	simm.s32 @!p0 $0x2  }
0x128: {  	_ =	swait.ge @!p0 [sflag:s0], s1  }
0x129: {  	s1 =	ssub.s32 @!p0 $0x0, s1;
	[sflag:s0] =	ssyncset.done @!p0 $0x0  }
0x12a: {  	[sflag:s0] =	ssyncadd.s32 @!p0 s1  }
0x12b: {  	[bflag:$0x3] =	sbarrier.arrive $0xFFFF  }
0x12c: {  	_ =	shalt  }

// kernel: scatter_offload_async_start
scs
__scs_entry_jumppad:
0x0: {  	(pc) =	sbr.rel $0x88, $3  }
0x1: {  	(tag) =	ssettag $0x0;
	lr =	simm.s32 $0x1  }
0x2: {  	[smem:$0x3F90] =	sst lr;
	_ =	strace $0xD0000000  }
0x3: {  	_ = 	snop  }
0x4: {  	_ = 	snop  }
0x5: {  	_ = 	snop  }
0x6: {  	_ = 	snop  }
0x7: {  	_ = 	snop  }
__scs_overlays_trampoline_lowered:
0x8: {  	[smem:$0x3F9F] =	sst s0  }
0x9: {  	[smem:$0x3FA0] =	sst s1  }
0xa: {  	[smem:$0x3FA1] =	sst s2  }
0xb: {  	[smem:$0x3FA2] =	sst s3  }
0xc: {  	[smem:$0x3FA3] =	sst s4  }
0xd: {  	[smem:$0x3FA4] =	sst s5  }
0xe: {  	[smem:$0x3FA5] =	sst s6  }
0xf: {  	[smem:$0x3FA6] =	sst s7  }
0x10: {  	[smem:$0x3FA7] =	sst s8  }
0x11: {  	[smem:$0x3FA8] =	sst s9;
	s0 =	simm.s32 @!p0 $0x0  }
0x12: {  	s1 =	sld [smem:$0x3F8E];
	s0 =	simm.s32 @p0 $0x1  }
0x13: {  	[smem:$0x3FA9] =	sst s0;
	s0 =	simm.s32 @!p1 $0x0  }
0x14: {  	s2 =	sld [smem:$0x3F8D];
	s0 =	simm.s32 @p1 $0x1  }
0x15: {  	[smem:$0x3FAA] =	sst s0;
	s0 =	simm.s32 @!p2 $0x0  }
0x16: {  	s3 =	sld [smem:$0x3FDB];
	s0 =	simm.s32 @p2 $0x1  }
0x17: {  	s4 =	simm.s32 $0x1BF5;
	[smem:$0x3FAC] =	sst s0  }
0x18: {  	s0 =	sld [smem:$0x3F8F];
	_ =	swait.ge [sflag:s4], $0x0  }
0x19: {  	s7 =	sld [smem:$0x3F90]  }
0x1a: {  	s8 =	sadd.s32 $0xFFFFE003, lr  }
0x1b: {  	s9 =	sadd.s32 $0xFFFFFEF7, lr;
	s5 =	simm.s32 $0xFFFFFFFF;
	p2 =	slt.u32 s8, $0xFFFFF086  }
0x1c: {  	p1 =	slt.u32 s9, $0xF7A;
	s5 =	simm.s32 @!p2 $0x0  }
0x1d: {  	s5 =	simm.s32 @p1 $0x1;
	p0 =	seq.s32 s7, s2  }
0x1e: {  	s7 =	smul.u32 @!p0 $0xF7A, s2;
	p2 =	seq.s32 @!p0 s5, $0x0  }
0x1f: {  	s9 =	smul.u32 $0xF7A, s1;
	s8 =	simm.s32 @!p0 $0x1BF5;
	p2 =	por !p2, p0  }
0x20: {  	[sflag:s8] =	ssyncset.s32 @!p0 $0xFFFFF086;
	s6 =	sadd.s32 @!p0 s3, s7;
	s7 =	simm.s32 @!p0 $0x108  }
0x21: {  	s3 =	sadd.s32 s3, s9;
	s6 =	sadd.s32 @!p0 $0x88, s6;
	s7 =	simm.s32 @p2 $0x1082  }
0x22: {  	[simem:s7], [sflag:s8] =	dma.local @!p0 [hbm:s6], $0xF7A  }
0x23: {  	s9 =	sor.u32 $0xD0000000, s2;
	s6 =	simm.s32 $0x108;
	_ =	swait.ge @!p0 [sflag:s8], $0x0  }
0x24: {  	s3 =	sadd.s32 $0x88, s3;
	s6 =	simm.s32 @!p1 $0x1082;
	[sflag:s4] =	ssyncset.s32 $0xFFFFF086  }
0x25: {  	[simem:s6], [sflag:s4] =	dma.local [hbm:s3], $0xF7A  }
0x26: {  	[smem:$0x3F90] =	sst s1;
	(tag) =	ssettag s2;
	_ =	strace s9  }
0x27: {  	s1 =	sld [smem:$0x3FA0]  }
0x28: {  	s2 =	sld [smem:$0x3FA1]  }
0x29: {  	s4 =	sld [smem:$0x3FA3]  }
0x2a: {  	p0 =	seq.s32 s5, $0x0;
	s5 =	sld [smem:$0x3FA4]  }
0x2b: {  	s6 =	sld [smem:$0x3FA5]  }
0x2c: {  	s7 =	sld [smem:$0x3FA6]  }
0x2d: {  	s3 =	simm.s32 $0x108;
	s8 =	sld [smem:$0x3FA7]  }
0x2e: {  	s3 =	simm.s32 @!p0 $0x1082;
	s9 =	sld [smem:$0x3FA8]  }
0x2f: {  	lr =	sadd.s32 s0, s3;
	s0 =	sld [smem:$0x3F9F]  }
0x30: {  	s3 =	sld [smem:$0x3FA2]  }
0x31: {  	[smem:$0x3FAB] =	sst s10  }
0x32: {  	s10 =	sld [smem:$0x3FA9];
	_ =	sdelay $0x3  }
0x33: {  	p0 =	seq.s32 s10, $0x1;
	s10 =	sld [smem:$0x3FAB];
	_ =	sdelay $0x3  }
0x34: {  	[smem:$0x3FAB] =	sst s10  }
0x35: {  	s10 =	sld [smem:$0x3FAA];
	_ =	sdelay $0x3  }
0x36: {  	p1 =	seq.s32 s10, $0x1;
	s10 =	sld [smem:$0x3FAB];
	_ =	sdelay $0x3  }
0x37: {  	[smem:$0x3FAB] =	sst s10  }
0x38: {  	s10 =	sld [smem:$0x3FAC]  }
0x39: {  	_ = 	snop;
	(pc) =	sbr.ind lr, $3  }
0x3a: {  	_ = 	snop  }
0x3b: {  	_ = 	snop  }
0x3c: {  	p2 =	seq.s32 s10, $0x1;
	s10 =	sld [smem:$0x3FAB]  }
0x3d: {  	_ =	shalt  }
0x3e: {  	_ =	shalt  }
0x3f: {  	_ =	shalt  }
0x40: {  	_ =	shalt  }
0x41: {  	_ =	shalt  }
0x42: {  	_ =	shalt  }
0x43: {  	_ =	shalt  }
0x44: {  	_ =	shalt  }
0x45: {  	_ =	shalt  }
0x46: {  	_ =	shalt  }
0x47: {  	_ =	shalt  }
0x48: {  	_ =	shalt  }
0x49: {  	_ =	shalt  }
0x4a: {  	_ =	shalt  }
0x4b: {  	_ =	shalt  }
0x4c: {  	_ =	shalt  }
0x4d: {  	_ =	shalt  }
0x4e: {  	_ =	shalt  }
0x4f: {  	_ =	shalt  }
0x50: {  	_ =	shalt  }
0x51: {  	_ =	shalt  }
0x52: {  	_ =	shalt  }
0x53: {  	_ =	shalt  }
0x54: {  	_ =	shalt  }
0x55: {  	_ =	shalt  }
0x56: {  	_ =	shalt  }
0x57: {  	_ =	shalt  }
0x58: {  	_ =	shalt  }
0x59: {  	_ =	shalt  }
0x5a: {  	_ =	shalt  }
0x5b: {  	_ =	shalt  }
0x5c: {  	_ =	shalt  }
0x5d: {  	_ =	shalt  }
0x5e: {  	_ =	shalt  }
0x5f: {  	_ =	shalt  }
0x60: {  	_ =	shalt  }
0x61: {  	_ =	shalt  }
0x62: {  	_ =	shalt  }
0x63: {  	_ =	shalt  }
0x64: {  	_ =	shalt  }
0x65: {  	_ =	shalt  }
0x66: {  	_ =	shalt  }
0x67: {  	_ =	shalt  }
0x68: {  	_ =	shalt  }
0x69: {  	_ =	shalt  }
0x6a: {  	_ =	shalt  }
0x6b: {  	_ =	shalt  }
0x6c: {  	_ =	shalt  }
0x6d: {  	_ =	shalt  }
0x6e: {  	_ =	shalt  }
0x6f: {  	_ =	shalt  }
0x70: {  	_ =	shalt  }
0x71: {  	_ =	shalt  }
0x72: {  	_ =	shalt  }
0x73: {  	_ =	shalt  }
0x74: {  	_ =	shalt  }
0x75: {  	_ =	shalt  }
0x76: {  	_ =	shalt  }
0x77: {  	_ =	shalt  }
0x78: {  	_ =	shalt  }
0x79: {  	_ =	shalt  }
0x7a: {  	_ =	shalt  }
0x7b: {  	_ =	shalt  }
0x7c: {  	_ =	shalt  }
0x7d: {  	_ =	shalt  }
0x7e: {  	_ =	shalt  }
0x7f: {  	_ =	shalt  }
0x80: {  	_ =	shalt  }
0x81: {  	_ =	shalt  }
0x82: {  	_ =	shalt  }
0x83: {  	_ =	shalt  }
0x84: {  	_ =	shalt  }
0x85: {  	_ =	shalt  }
0x86: {  	_ =	shalt  }
0x87: {  	_ =	shalt  }
.Lfunc_end0:
.L_simem_size_0:
called_computation_lowered:
.L_overlay_start_0:
0x88: {  	s0 =	sld [smem:$0x3FD9]  }
0x89: {  	s1 =	sld [smem:$0x3FFE];
	_ =	sdelay $0x3  }
0x8a: {  	s0 =	sadd.s32 s1, s0  }
0x8b: {  	[smem:$0x3FB7] =	sst s0  }
0x8c: {  	_ = 	snop  }
0x8d: {  	(tm) =	ssettm $0x1  }
0x8e: {  	s15 =	sld [smem:$0x3FFB];
	_ =	sdelay $0x3  }
0x8f: {  	_ =	strace s15  }
0x90: {  	s0 =	sld [smem:$0x3FFC];
	_ =	sdelay $0x3  }
0x91: {  	_ =	strace s0  }
0x92: {  	s0 =	sld [smem:$0x3FFD];
	_ =	sdelay $0x3  }
0x93: {  	_ =	strace s0  }
0x94: {  	_ =	strace $0x8FFFFFFF  }
0x95: {  	s16 =	sld [smem:$0x3FDB];
	_ =	sdelay $0x1  }
0x96: {  	s17 =	simm.s32 $_scs_section_size  }
0x97: {  	s2 =	simm.s32 $_size__tile_overlayer_lowered;
	s3 =	simm.s32 $_tile_overlayer_lowered  }
0x98: {  	s20 =	simm.s32 $0x1BFF;
	s19 =	sshll.u32 s3, $0x1;
	s0 =	sadd.s32 s17, s16  }
0x99: {  	s4 =	simm.s32 $0x0;
	s18 =	sshll.u32 s2, $0x1;
	s2 =	sadd.s32 s19, s0  }
0x9a: {  	[timem:s4], [sflag:s20] =	dma.local [hbm:s2], s18  }
0x9b: {  	_ =	swait.ge [sflag:s20], s18  }
0x9c: {  	s1 =	ssub.s32 $0x0, s18;
	[sflag:s20] =	ssyncset.done $0x0  }
0x9d: {  	[sflag:s20] =	ssyncadd.s32 s1;
	_ =	sdelay $0x1  }
0x9e: {  	s21 =	simm.s32 $0x1B8B  }
0x9f: {  	_ =	swait.ge [sflag:s21], $0x1  }
0xa0: {  	[sflag:s21] =	ssyncset.done $0x0  }
0xa1: {  	s23 =	simm.s32 $0x1B8E;
	s22 =	sld [smem:$0x3FFE];
	[sflag:s21] =	ssyncadd.s32 $0xFFFFFFFF  }
0xa2: {  	s24 =	simm.s32 $execute0_lowered;
	[smem:$0x3FD2] =	sst s23  }
0xa3: {  	s2 =	sshll.u32 s24, $0x1;
	_ =	strace $0x80000046;
	[dreg:$0x1] =	wrdreg $0xFFFFFFFF  }
0xa4: {  	s25 =	simm.s32 $_size_execute0_lowered;
	s0 =	sadd.s32 s0, s2;
	[dreg:$0x0] =	wrdreg $0x0  }
0xa5: {  	s2 =	sshll.u32 s25, $0x1;
	[dreg:$0x2] =	wrdreg s0  }
0xa6: {  	[dreg:$0x3] =	wrdreg s2  }
0xa7: {  	[dreg:$0x4] =	wrdreg $0xC0  }
0xa8: {  	_ =	task [dreg:s4], $0x5FFFF  }
0xa9: {  	[dreg:$0x1] =	wrdreg $0xFFFFFFFF  }
0xaa: {  	[dreg:$0x0] =	wrdreg $0x60  }
0xab: {  	[dreg:$0x2] =	wrdreg s22  }
0xac: {  	[dreg:$0x3] =	wrdreg $0xA  }
0xad: {  	_ =	task.clear_ibuf [dreg:s4], $0x4FFFF;
	_ =	strace $0x90000046  }
0xae: {  	s26 =	simm.s32 $0xA;
	_ =	strace $0x80000048  }
0xaf: {  	_ =	swait.ge [sflag:s26], $0x1  }
0xb0: {  	[sflag:s26] =	ssyncadd.s32 $0xFFFFFFFF  }
0xb1: {  	_ =	strace $0x90000048  }
0xb2: {  	_ =	sfence  }
0xb3: {  	s28 =	sld [smem:$0x0];
	_ =	sdelay $0x1  }
0xb4: {  	s29 =	srdreg.scid  }
0xb5: {  	s30 =	sshll.u32 s29, $0xD;
	s31 =	sshrl.u32 s29, $0x2  }
0xb6: {  	s1 =	sand.u32 $0x1, s29;
	s2 =	sand.u32 $0x4000, s30;
	s0 =	sadd.s32 s31, s28  }
0xb7: {  	s1 =	sor.u32 s2, s1;
	s0 =	sshll.u32 s0, $0x11  }
0xb8: {  	s0 =	sor.u32 s0, s1  }
0xb9: {  	s0 =	sadd.s32 $0x8F2B, s0  }
0xba: {  	[sflag:s0] =	ssyncadd.remote.s32 $0x1  }
0xbb: {  	_ =	sfence.sel $0xFFFF  }
0xbc: {  	[dreg:$0x0] =	wrdreg $0xFFFFFFFF;
	(pc) =	sbr.abs _section_cstart, $3  }
0xbd: {  	[dreg:$0x1] =	wrdreg $0xFFFFFFFF  }
0xbe: {  	_ =	task.clear_ibuf [dreg:s4], $0x2FFFF;
	_ =	strace $0x9FFFFFFF  }
0xbf: {  	(tm) =	ssettm $0x7FFFFFFF  }
tec
execute0_lowered:
.L_overlay_start_1:
0x0: {  	(tag) =	ssettag $0x1  }
0x1: {  	s0 =	rddreg [dreg:$0x0]  }
0x2: {  	_ =	strace $0x80000047;
	s15 =	stileid.u32;
	s2 =	simm.s32 $0x1  }
0x3: {  	v1 =	vimm.s32 $0xFFFFFFFF;
	s1 =	smin.u32 s15, $0x8;
	s3 =	sshll.u32 s15, $0x1;
	[sflag:s2] =	ssyncpa.u1 $0x0  }
0x4: {  	s1 =	sadd.s32 s1, s3;
	[tilespmem:$0x10] =	vst v1  }
0x5: {  	v0 =	vimm.s32 $0x0;
	p0 =	slt.u32 s15, $0x8;
	[tilespmem:$0x20] =	vst v1;
	s4 =	smul.u32 $0x1F40, s1;
	s1 =	simm.s32 $0x5DC0  }
0x6: {  	[tilespmem:$0x30] =	vst v0;
	s1 =	simm.s32 @!p0 $0x3E80  }
0x7: {  	[tilespmem:$0x40] =	vst v0;
	s1 =	sadd.s32 s1, s4  }
0x8: {  	s7 =	simm.s32 $0x2;
	[tilespmem:$0x50] =	vst v0;
	s5 =	smin.u32 s1, $0x4E200  }
0x9: {  	s8 =	simm.s32 $0x8;
	s31 =	simm.s32 $0x9;
	[tilespmem:$0x60] =	vst v1;
	s9 =	ssub.s32 s5, s4  }
0xa: {  	s16 =	simm.s32 $0x0;
	s17 =	simm.s32 $0xF0;
	[tilespmem:$0x70] =	vst v1;
	p0 =	sgt.s32 s9, $0x0  }
0xb: {  	s18 =	simm.s32 $0xFFFFFFFF;
	s19 =	simm.s32 $0xFFFFC280;
	[tilespmem:$0x80] =	vst v1;
	s9 =	simm.s32 @!p0 $0x0  }
0xc: {  	s20 =	simm.s32 $0xFFFFFFFE;
	s21 =	simm.s32 $0xF;
	[tilespmem:$0x90] =	vst v0;
	s30 =	smulhi.u32 $0x10624DD3, s9  }
0xd: {  	s25 =	simm.s32 $0x0;
	s24 =	simm.s32 $0x0;
	s6 =	sadd.s32 $0x2200, s0;
	[tilespmem:$0xA0] =	vst v0  }
0xe: {  	[tilespmem:$0xB0] =	vst v0;
	[sflag:s7] =	ssyncpa.u1 $0x0;
	s7 =	simm.s32 $0x7;
	s10 =	sshrl.u32 s30, $0x9  }
0xf: {  	s15 =	sshllo.u32 s15, $0x1;
	[sflag:s7] =	ssyncpa.u1 $0x0;
	s11 =	smul.u32 $0x1F40, s10  }
.Ltmp0:
0x10: {  	s13 =	sor.u32 $0x80, s3;
	[sflag:s8] =	ssyncpa.u1 $0x0;
	(pc) =	sbr.rel .LBB2_1-.Ltmp0, $4  }
0x11: {  	s14 =	sor.u32 $0x81, s3;
	[sflag:s31] =	ssyncpa.u1 $0x0;
	p0 =	sne.s32 s9, s11  }
0x12: {  	s1 =	sadd.s32 $0x29C00, s0;
	s0 =	sadd.s32 $0xC000, s0;
	s2 =	simm.s32 @!p0 $0x0  }
0x13: {  	vm0 =	vmmov $0xffff;
	vm1 =	vmxor vm1, vm1;
	s23 =	smov.u32 s4;
	[dreg:$0x2] =	wrdreg s0;
	s10 =	sadd.s32 s2, s10  }
0x14: {  	vm2 =	vmmov $0x1;
	vm3 =	vcmask $0x3F3C;
	v1 =	vlaneseq.u32;
	p0 =	por $0x0, $0x0;
	s11 =	sadd.s32 $0x1, s10;
	s12 =	sadd.s32 $0x2, s10  }
.LBB2_9:
0x15: {  	p1 =	slt.u32 s24, $0x3  }
0x16: {  	s0 =	simm.s32 @!p1 $0x2  }
0x17: {  	_ =	swait.ge @!p1 [sflag:s0], $0x1F40  }
0x18: {  	[sflag:s0] =	ssyncset.done @!p1 $0x0  }
0x19: {  	[sflag:s0] =	ssyncadd.s32 @!p1 $0xFFFFE0C0;
	s0 =	simm.s32 @!p1 $0x9  }
0x1a: {  	_ =	swait.ge @!p1 [sflag:s0], $0x10  }
0x1b: {  	[sflag:s0] =	ssyncset.done @!p1 $0x0  }
0x1c: {  	[sflag:s0] =	ssyncadd.s32 @!p1 $0xFFFFFFF0;
	p1 =	sne.s32 s24, s12  }
.Ltmp1:
0x1d: {  	s2 =	sadd.s32 $0x1F40, s23;
	(pc) =	sbr.rel @!p1 .LBB2_10-.Ltmp1, $4  }
0x1e: {  	s9 =	smov.u32 s4;
	s31 =	sadd.s32 $0x1, s24;
	s17 =	sadd.s32 $0x1F40, s17  }
0x1f: {  	s18 =	sadd.s32 $0x1, s18;
	s25 =	smov.u32 s23;
	p2 =	slt.s32 s2, s5  }
0x20: {  	p0 =	por !p0, !p0;
	s19 =	sadd.s32 $0x1F40, s19;
	s9 =	smov.u32 @p2 s2  }
0x21: {  	s20 =	sadd.s32 $0x1, s20;
	s23 =	smov.u32 s9;
	s24 =	smov.u32 s31  }
.LBB2_1:
0x22: {  	p1 =	sge.u32 s24, s10  }
0x23: {  	s0 =	smulhi.u32 @!p1 $0xAAAAAAAB, s24;
	_ =	sdelay $0x1  }
0x24: {  	s0 =	sshrl.u32 @!p1 s0, $0x1  }
0x25: {  	s0 =	smul.u32 @!p1 $0x3, s0;
	_ =	sdelay $0x1  }
0x26: {  	s0 =	ssub.s32 @!p1 s24, s0  }
0x27: {  	s0 =	smul.u32 @!p1 $0x7D00, s0;
	_ =	sdelay $0x1  }
0x28: {  	s2 =	sshrl.u32 @!p1 s23, $0x3;
	s0 =	sshrl.u32 @!p1 s0, $0x2  }
0x29: {  	s22 =	sand.u32 @!p1 $0x7, s23;
	s2 =	sadd.s32 @!p1 s6, s2;
	s0 =	sadd.s32 @!p1 $0x100, s0  }
0x2a: {  	[tilespmem:s0], [sflag:$0x7] =	stream.linear.gather @!p1 [hbm4b:s2+s22], $0x1F40, $0x38;
	[tilespmem:$0x11A60] =	vst v63  }
0x2b: {  	s0 =	sadd.s32 $0xFFFFFFFF, s24  }
0x2c: {  	p1 =	sge.u32 s0, s10  }
.Ltmp2:
0x2d: {  	_ = 	snop;
	(pc) =	sbr.rel @p1 .LBB2_5-.Ltmp2, $1  }
0x2e: {  	_ =	sdelay $0x3  }
0x2f: {  	s2 =	smulhi.u32 $0xAAAAAAAB, s0;
	_ =	sdelay $0x1  }
0x30: {  	s2 =	sshrl.u32 s2, $0x1  }
0x31: {  	s2 =	smul.u32 $0x3, s2;
	_ =	sdelay $0x1  }
0x32: {  	s2 =	ssub.s32 s0, s2  }
0x33: {  	s2 =	smul.u32 $0x7D00, s2  }
0x34: {  	_ =	swait.ge [sflag:s7], $0x1F40  }
0x35: {  	[sflag:s7] =	ssyncset.done $0x0;
	s2 =	sshrl.u32 s2, $0x2  }
0x36: {  	[sflag:s7] =	ssyncadd.s32 $0xFFFFE0C0;
	(ifvalue) =	ssetifvalue $0xFFFFFFFF;
	v2 =	vld.msk [tilespmem:s2+$0x100 ss:$0x1], $0xffff;
	_ =	sdelay $0x2  }
0x37: {  	s30 =	smulhi.u32 $0xAAAAAAAB, s18;
	p1 =	sne.s32 s24, $0x1  }
0x38: {  	v3 =	vimm.s32 @!p1 $0x0  }
0x39: {  	s2 =	sshrl.u32 s30, $0x1;
	v3 =	vperm.xlane @!p1 v2, v3  }
0x3a: {  	s22 =	sshll.u32 s24, $0x4;
	s2 =	smul.u32 $0xFFFE8900, s2;
	vm4 =	vlt.u32 v2, $0x528000  }
0x3b: {  	s22 =	sand.u32 $0x10, s22;
	v2 =	vnsel vm4, $0xFFFFFFFE, v2;
	vm4 =	vlt.u32 @!p1 v3, $0x528000  }
0x3c: {  	s2 =	sshra.s32 s2, $0x2;
	[tilespmem:s22+$0x60] =	vst v2;
	v2 =	vnsel @!p1 vm4, $0xFFFFFFFE, v3  }
0x3d: {  	s2 =	sadd.s32 s2, s17;
	[tilespmem:$0x80] =	vst @!p1 v2  }
0x3e: {  	v2 =	vld.msk [tilespmem:s2+$0x0 ss:$0x1], $0xffff;
	_ =	sdelay $0x4  }
0x3f: {  	(xrf1) =	vunique.msk.u32 $0xffff, v2;
	_ =	sdelay $0xd  }
0x40: {  	v3 =	vimm.s32 $0xFFFFFFFF;
	v4, _, _ =	vpop (xrf1)  }
0x41: {  	vm5 =	vne.s32 v2, v3;
	vm4 =	veq.s32 v4, v1  }
0x42: {  	vm6 =	vlt.u32 v2, $0x528000;
	vm4 =	vmand vm5, vm4  }
0x43: {  	vm4 =	vmand vm6, vm4  }
0x44: {  	v3 =	vnsel vm4, $0xFFFFFFFF, v2  }
0x45: {  	s31 =	sand.u32 $0x1, s0  }
0x46: {  	s26 =	simm.s32 $0x1F40;
	p1 =	seq.s32 s31, $0x1  }
0x47: {  	s26 =	simm.s32 @!p1 $0x0  }
0x48: {  	s0 =	sadd.s32 $0x7DF0, s26;
	(ifvalue) =	ssetifvalue $0xFFFFFFFF  }
0x49: {  	v2 =	vperm.xlane v2, v0;
	[tilespmem:s0], [sflag:$0x8] =	stream.indirect_vreg.gather [hbm4b:s1+s16], $0x1, v3, vm0, $0x4038;
	v3 =	vnsel vm6, $0xFFFFFFFE, v3;
	[tilespmem:$0x11A60] =	vst v63  }
0x4a: {  	s28 =	simm.s32 $0x0;
	s29 =	sadd.s32 $0xFFFFFFF0, s2;
	[tilespmem:s2+$0x0] =	vst v3  }
.LBB2_3:
0x4b: {  	v3 =	vld.msk [tilespmem:s29+$0x0 ss:$0x1], $0xffff;
	s28 =	sadd.s32 $0x10, s28;
	v4 =	vmov v2;
	s2 =	smov.u32 s29  }
0x4c: {  	p1 =	slt.u32 s28, $0x1F30;
	_ =	sdelay $0x4  }
0x4d: {  	v2 =	vperm.xlane v3, v0;
	(xrf1) =	vunique.msk.u32 $0xffff, v3;
	_ =	sdelay $0xd  }
0x4e: {  	v5, _, _ =	vpop (xrf1)  }
0x4f: {  	vm5 =	vne.s32 v3, v4;
	vm4 =	veq.s32 v5, v1  }
0x50: {  	vm6 =	vlt.u32 v3, $0x528000;
	vm4 =	vmand vm5, vm4  }
0x51: {  	vm4 =	vmand vm6, vm4  }
0x52: {  	v3 =	vnsel vm4, $0xFFFFFFFF, v3  }
.Ltmp3:
0x53: {  	v4 =	vnsel vm6, $0xFFFFFFFE, v3;
	(pc) =	sbr.rel @p1 .LBB2_3-.Ltmp3, $3  }
0x54: {  	_ =	sdelay $0x1  }
0x55: {  	s29 =	sadd.s32 $0xFFFFFFF0, s29;
	s0 =	sadd.s32 $0xFFFFFFF0, s0;
	(ifvalue) =	ssetifvalue $0xFFFFFFFF  }
0x56: {  	[tilespmem:s0], [sflag:$0x8] =	stream.indirect_vreg.gather [hbm4b:s1+s16], $0x1, v3, vm0, $0x4038;
	[tilespmem:s2+$0x0] =	vst v4  }
0x57: {  	s0 =	sshrl.u32 s25, $0x3;
	s2 =	rddreg [dreg:$0x2]  }
0x58: {  	s31 =	sadd.s32 $0x9D40, s26;
	s0 =	sadd.s32 s2, s0  }
0x59: {  	[tilespmem:s31], [sflag:$0x8] =	stream.linear.gather [hbm:s0], $0x1F40, $0x38;
	[tilespmem:$0x11A60] =	vst v63  }
.LBB2_5:
0x5a: {  	p1 =	slt.u32 s24, $0x2  }
0x5b: {  	p2 =	sge.u32 @!p1 s24, s12  }
0x5c: {  	p1 =	por p1, p2  }
.Ltmp4:
0x5d: {  	_ = 	snop;
	(pc) =	sbr.rel @p1 .LBB2_9-.Ltmp4, $1  }
0x5e: {  	_ =	sdelay $0x3  }
0x5f: {  	s0 =	sadd.s32 $0xFFFFFFFE, s24  }
0x60: {  	s2 =	smulhi.u32 $0xAAAAAAAB, s0;
	_ =	sdelay $0x1  }
0x61: {  	s2 =	sshrl.u32 s2, $0x1  }
0x62: {  	s2 =	smul.u32 $0x3, s2;
	_ =	sdelay $0x1  }
0x63: {  	s0 =	ssub.s32 s0, s2  }
0x64: {  	_ =	swait.ge [sflag:s8], $0x3E80;
	s0 =	smul.u32 $0x1F40, s0  }
0x65: {  	p1 =	sne.s32 s24, s11;
	[sflag:s8] =	ssyncset.done $0x0  }
0x66: {  	[sflag:s8] =	ssyncadd.s32 $0xFFFFC180;
	s2 =	sadd.s32 @!p1 $0x203F, s0  }
0x67: {  	[spmem:s14] =	stream.linear.scatter @!p1 [tilespmem:s2], [sflag:$0x1], $0x1, $0x38;
	[tilespmem:$0x11A60] =	vst v63  }
0x68: {  	s2 =	simm.s32 @!p1 $0x1  }
0x69: {  	_ =	swait.ge @!p1 [sflag:s2], $0x1  }
0x6a: {  	s22 =	sshll.u32 s24, $0x4;
	[sflag:s2] =	ssyncset.done @!p1 $0x0  }
0x6b: {  	s25 =	sand.u32 $0x10, s22;
	[sflag:s2] =	ssyncadd.s32 @!p1 $0xFFFFFFFF  }
0x6c: {  	s2 =	sxor.u32 $0x10, s25;
	v3 =	vld [tilespmem:s25+$0x10]  }
0x6d: {  	v4 =	vld [tilespmem:s2+$0x60]  }
0x6e: {  	v2 =	vld [tilespmem:$0x80];
	_ =	sdelay $0x2  }
0x6f: {  	(v2sf) =	vpush v3, $0x0  }
0x70: {  	(v2sf) =	vpush v4, $0x0  }
0x71: {  	(v2sf) =	vpush v2, $0x0;
	_ =	sdelay $0xc  }
0x72: {  	s9 =	spop (v2sf)  }
0x73: {  	s26 =	spop (v2sf)  }
0x74: {  	s28 =	spop (v2sf)  }
0x75: {  	p2 =	seq.s32 s9, s26;
	p3 =	seq.s32 s28, s9  }
0x76: {  	p3 =	por p2, p3  }
0x77: {  	s26 =	sand.u32 $0x1, s24;
	v3 =	vpsel p3, $0xFFFFFFFF, v3  }
0x78: {  	s29 =	smul.u32 $0x1F40, s26;
	[tilespmem:s25+$0x10] =	vst.msk $0x1, v3  }
0x79: {  	v3 =	vld [tilespmem:$0x30]  }
0x7a: {  	v4 =	vld [tilespmem:s29+$0x9D40]  }
0x7b: {  	v5 =	vld [tilespmem:s25+$0x40];
	_ =	sdelay $0x2  }
0x7c: {  	vm4 =	vmmov vm1  }
0x7d: {  	vm5 =	vmmov vm2;
	vm4 =	vmmov @p2 vm2;
	s22 =	sshll.u32 s26, $0x4;
	v4 =	vadd.s32 v3, v4  }
0x7e: {  	s26 =	sor.u32 $0x11A40, s22;
	vm5 =	vmmov @p3 vm1;
	v3 =	vadd.s32 v3, v5;
	[tilespmem:s29+$0x9D40] =	vst.msk vm4, v4  }
0x7f: {  	[tilespmem:s26+$0x0] =	vst.msk vm5, v3  }
0x80: {  	v3 =	vld [tilespmem:s29+$0x7DF0];
	_ =	sdelay $0x3  }
0x81: {  	v4 =	vimm.s32 $0x0  }
0x82: {  	v3 =	vshift.insert v3, v4, s21  }
0x83: {  	s9 =	sor.u32 $0x40, s2  }
0x84: {  	[tilespmem:s9+$0x0] =	vst.msk $0x1, v3  }
0x85: {  	[tilespmem:s29+$0x7DFF] =	vst.msk $0x1, v4  }
0x86: {  	v3 =	vld [tilespmem:s0+$0x2030]  }
0x87: {  	s9 =	smulhi.u32 $0xAAAAAAAB, s20;
	_ =	sdelay $0x1  }
0x88: {  	s22 =	simm.s32 $0x1;
	s0 =	sshrl.u32 s9, $0x1  }
0x89: {  	s22 =	simm.s32 @!p0 $0x0;
	s0 =	smul.u32 $0xFFFE8900, s0  }
0x8a: {  	s22 =	smul.u32 $0x7D00, s22;
	v3 =	vshift.insert v3, v4, s21  }
0x8b: {  	s0 =	sshra.s32 s0, $0x2  }
0x8c: {  	s22 =	sshrl.u32 s22, $0x2;
	s9 =	sadd.s32 s0, s19;
	[tilespmem:s2+$0x10] =	vst.msk $0x1, v3  }
0x8d: {  	s30 =	sadd.s32 $0x9D40, s22;
	v5 =	vld [tilespmem:s9+$0x0]  }
0x8e: {  	v6 =	vld [tilespmem:s30+$0x0];
	_ =	sdelay $0x4  }
0x8f: {  	vm4 =	vne.s32 v5, $0xFFFFFFFF;
	v6 =	vadd.s32 v4, v6;
	v4 =	vperm.xlane v3, v4  }
0x90: {  	s31 =	sadd.s32 $0x5EC0, s22;
	(xrf0) =	vadd.seg.scan.s32 vm4, v6  }
0x91: {  	vm5 =	veq.s32 v5, v2;
	v6 =	vld [tilespmem:s31+$0x0];
	vm6 =	veq.s32 v5, v4  }
0x92: {  	vm7 =	vgt.u32 v5, $0xFFFFFFFD;
	vm6 =	vmor vm6, vm5  }
0x93: {  	v7 =	vld [tilespmem:$0xA0];
	vm6 =	vmor vm6, vm7  }
0x94: {  	v9 =	vld [tilespmem:$0x90];
	v5 =	vsel vm6, $0xFFFFFFFF, v5;
	_ =	sdelay $0x1  }
0x95: {  	v6 =	vsel vm5, $0x0, v6;
	v8, _, _ =	vpop (xrf0)  }
0x96: {  	s0 =	sadd.s32 $0xDBC0, s22;
	vm4 =	vmand vm4, vm3;
	v6 =	vadd.s32 v6, v8  }
0x97: {  	s22 =	sadd.s32 $0x10, s9;
	s2 =	simm.s32 $0x0;
	vm6 =	veq.s32 v7, $0x1;
	[tilespmem:s0+$0x0] =	vst v6;
	(ifvalue) =	ssetifvalue $0xFFFFFFFF;
	v6 =	vsel vm4, $0x0, v8  }
0x98: {  	vm4 =	vmor vm6, vm5;
	[hbm4b:s1+s16] =	stream.indirect_vreg.scatter [tilespmem:s0], [sflag:$0x2], $0x1, v5, vm0, $0x4038;
	v5 =	vsel vm5, v8, v9;
	v6 =	vshift.insert v6, v0, s21;
	[tilespmem:$0x11A60] =	vst v63  }
.LBB2_7:
0x99: {  	v7 =	vld [tilespmem:s22+$0x0];
	s30 =	sadd.s32 $0x10, s30  }
0x9a: {  	s31 =	sadd.s32 $0x10, s31;
	v8 =	vld [tilespmem:s30+$0x0]  }
0x9b: {  	s2 =	sadd.s32 $0x10, s2;
	v9 =	vld [tilespmem:s31+$0x0]  }
0x9c: {  	p2 =	slt.u32 s2, $0x1F30;
	_ =	sdelay $0x2  }
0x9d: {  	vm5 =	vne.s32 v7, $0xFFFFFFFF;
	v6 =	vadd.s32 v6, v8  }
0x9e: {  	vm6 =	vmand vm5, vm3;
	(xrf0) =	vadd.seg.scan.s32 vm5, v6  }
0x9f: {  	vm7 =	veq.s32 v7, v4;
	vm5 =	veq.s32 v7, v2  }
0xa0: {  	vm8 =	vgt.u32 v7, $0xFFFFFFFD;
	vm4 =	vmor vm4, vm5;
	vm7 =	vmor vm7, vm5  }
0xa1: {  	vm7 =	vmor vm7, vm8  }
0xa2: {  	v7 =	vsel vm7, $0xFFFFFFFF, v7  }
.Ltmp5:
0xa3: {  	(pc) =	sbr.rel @p2 .LBB2_7-.Ltmp5, $4  }
0xa4: {  	v6 =	vsel vm5, $0x0, v9;
	v8, _, _ =	vpop (xrf0)  }
0xa5: {  	s0 =	sadd.s32 $0x10, s0;
	v5 =	vsel vm5, v8, v5;
	v6 =	vadd.s32 v6, v8;
	v8 =	vsel vm6, $0x0, v8  }
0xa6: {  	s22 =	sadd.s32 $0x10, s22;
	[tilespmem:s0+$0x0] =	vst v6;
	v6 =	vshift.insert v8, v0, s21;
	(ifvalue) =	ssetifvalue $0xFFFFFFFF  }
0xa7: {  	[hbm4b:s1+s16] =	stream.indirect_vreg.scatter [tilespmem:s0], [sflag:$0x2], $0x1, v7, vm0, $0x4038;
	[tilespmem:$0x11A60] =	vst v63  }
0xa8: {  	v2 =	vld [tilespmem:s29+$0xFAF0];
	_ =	sdelay $0x4  }
0xa9: {  	v2 =	vshift.insert v2, v0, s21  }
0xaa: {  	s0 =	simm.s32 $0x30  }
0xab: {  	[tilespmem:s0+$0x0] =	vst.msk $0x1, v2  }
0xac: {  	v2 =	vsel vm4, $0x1, v0;
	[tilespmem:$0x90] =	vst v5  }
0xad: {  	s0 =	sadd.s32 @!p1 $0xFAFF, s29;
	[tilespmem:$0xA0] =	vst v2  }
0xae: {  	[spmem:s15] =	stream.linear.scatter @!p1 [tilespmem:s0], [sflag:$0x1], $0x1, $0x38;
	[tilespmem:$0x11A60] =	vst v63  }
0xaf: {  	s0 =	simm.s32 @!p1 $0x1  }
0xb0: {  	v2 =	vmctz.xlane @!p1 vm4;
	_ =	swait.ge @!p1 [sflag:s0], $0x1  }
0xb1: {  	(v2sf) =	vpush @!p1 v3, $0x0  }
0xb2: {  	(v2sf) =	vpush @!p1 v2, $0x0;
	_ =	sdelay $0xd  }
0xb3: {  	s2 =	spop @!p1 (v2sf)  }
0xb4: {  	s9 =	spop @!p1 (v2sf)  }
0xb5: {  	p2 =	sne.s32 @!p1 s28, s2;
	p3 =	slt.s32 @!p1 s9, $0xF  }
0xb6: {  	[sflag:s0] =	ssyncset.done @!p1 $0x0;
	p2 =	por p2, p1;
	p3 =	por !p3, p1  }
0xb7: {  	[sflag:s0] =	ssyncadd.s32 @!p1 $0xFFFFFFFF;
	v2 =	vimm.s32 @!p2 $0xFFFFFFFF;
	s9 =	simm.s32 @p3 $0xF  }
0xb8: {  	[tilespmem:$0x80] =	vst @!p2 v2;
	s2 =	sadd.s32 @!p1 $0x90, s9  }
0xb9: {  	[spmem:s3] =	stream.linear.scatter @!p1 [tilespmem:s2], [sflag:$0x1], $0x1, $0x38;
	[tilespmem:$0x11A60] =	vst v63  }
0xba: {  	_ =	swait.ge @!p1 [sflag:s0], $0x1  }
0xbb: {  	[sflag:s0] =	ssyncset.done @!p1 $0x0  }
0xbc: {  	s2 =	simm.s32 @!p1 $0x80;
	[sflag:s0] =	ssyncadd.s32 @!p1 $0xFFFFFFFF  }
0xbd: {  	[spmem:s13] =	stream.linear.scatter @!p1 [tilespmem:s2], [sflag:$0x1], $0x1, $0x38;
	[tilespmem:$0x11A60] =	vst v63  }
0xbe: {  	_ =	swait.ge @!p1 [sflag:s0], $0x1  }
0xbf: {  	[sflag:s0] =	ssyncset.done @!p1 $0x0  }
0xc0: {  	[sflag:s0] =	ssyncadd.s32 @!p1 $0xFFFFFFFF;
	(ifvalue) =	ssetifvalue $0xFFFFFFFF;
	v2 =	vld [tilespmem:s25+$0x10];
	_ =	sdelay $0x3  }
.Ltmp6:
0xc1: {  	_ = 	snop;
	(pc) =	sbr.rel .LBB2_9-.Ltmp6, $3  }
0xc2: {  	_ =	sdelay $0x1  }
0xc3: {  	(ifvalue) =	ssetifvalue $0xFFFFFFFF  }
0xc4: {  	[hbm4b:s1+s16] =	stream.indirect_vreg.scatter [tilespmem:s26], [sflag:$0x9], $0x1, v2, vm0, $0x4038;
	[tilespmem:$0x11A60] =	vst v63  }
.LBB2_10:
0xc5: {  	_ =	sfence.sel $0x180000  }
0xc6: {  	s0 =	simm.s32 $0x7;
	[bflag:$0x0] =	sbarrier.arrive $0xFFFF  }
0xc7: {  	s26 =	simm.s32 $0x8;
	[sflag:s0] =	ssyncpa.u1 $0x1  }
0xc8: {  	s28 =	simm.s32 $0x9;
	[sflag:s26] =	ssyncpa.u1 $0x1  }
0xc9: {  	[sflag:s28] =	ssyncpa.u1 $0x1  }
0xca: {  	_ =	sfence.stream.spmem  }
0xcb: {  	s29 =	simm.s32 $0x3;
	[bflag:$0x0] =	sbarrier.arrive $0xFFFF  }
0xcc: {  	s30 =	simm.s32 $0x4;
	[sflag:s29] =	ssyncpa.u1 $0x1  }
0xcd: {  	s31 =	simm.s32 $0x3C;
	s2 =	stileid.u32;
	[sflag:s30] =	ssyncpa.u1 $0x1  }
0xce: {  	p0 =	sne.s32 s2, $0x0;
	[sflag:s31] =	ssyncpa.u1 $0x1  }
0xcf: {  	s0 =	simm.s32 @p0 $0x1;
	_ =	sfence @p0  }
0xd0: {  	[sflag:s0] =	ssyncpa.u1 @p0 $0x1;
	s0 =	simm.s32 @p0 $0x2  }
0xd1: {  	[sflag:s0] =	ssyncpa.u1 @p0 $0x1  }
0xd2: {  	_ =	strace @p0 $0x90000047  }
0xd3: {  	[bflag:$0x2] =	sbarrier.arrive @p0 $0xFFFF  }
0xd4: {  	_ =	shalt @p0  }
.LBB2_11:
0xd5: {  	_ =	sfence.stream.spmem;
	s0 =	simm.s32 $0x5  }
0xd6: {  	s2 =	simm.s32 $0x80;
	s3 =	simm.s32 $0xC0;
	[sflag:s0] =	ssyncpa.u1 $0x0  }
0xd7: {  	[tilespmem:s3], [sflag:$0x5] =	stream.linear.gather [spmem:s2], $0x20, $0x38;
	[tilespmem:$0x11A60] =	vst v63  }
0xd8: {  	s2 =	simm.s32 $0x0;
	s3 =	simm.s32 $0xE0  }
0xd9: {  	[tilespmem:s3], [sflag:$0x5] =	stream.linear.gather [spmem:s2], $0x20, $0x38;
	[tilespmem:$0x11A60] =	vst v63  }
.Ltmp7:
0xda: {  	_ = 	snop;
	(pc) =	sbr.rel .LBB2_12-.Ltmp7, $4  }
0xdb: {  	_ =	swait.ge [sflag:s0], $0x40  }
0xdc: {  	[sflag:s0] =	ssyncset.done $0x0  }
0xdd: {  	s31 =	simm.s32 $0x6;
	[sflag:s0] =	ssyncadd.s32 $0xFFFFFFC0  }
0xde: {  	s4 =	simm.s32 $0x0;
	[sflag:s31] =	ssyncpa.u1 $0x0  }
.LBB2_17:
0xdf: {  	p0 =	sgt.u32 s5, $0x527FFF  }
0xe0: {  	s0 =	sshrl.u32 @!p0 s5, $0x3  }
0xe1: {  	s5 =	sand.u32 @!p0 $0x7, s5;
	s6 =	simm.s32 @!p0 $0xB0;
	s0 =	sadd.s32 @!p0 s1, s0  }
0xe2: {  	[tilespmem:s6], [sflag:$0x6] =	stream.linear.gather @!p0 [hbm4b:s0+s5], $0x1, $0x38;
	[tilespmem:$0x11A60] =	vst v63  }
0xe3: {  	s0 =	simm.s32 @!p0 $0x6  }
0xe4: {  	_ =	swait.ge @!p0 [sflag:s0], $0x1  }
0xe5: {  	[sflag:s0] =	ssyncset.done @!p0 $0x0  }
0xe6: {  	[sflag:s0] =	ssyncadd.s32 @!p0 $0xFFFFFFFF  }
0xe7: {  	v2 =	vmov @!p0 s4;
	v1 =	vld.msk @!p0 [tilespmem:$0xB0], $0x1;
	_ =	sdelay $0x3  }
0xe8: {  	s0 =	simm.s32 @!p0 $0xE0  }
0xe9: {  	[tilespmem:v2+s0+$0x0], v1 =	vst.idx.ret.add.s32.msk @!p0 $0x1, v1  }
0xea: {  	[tilespmem:s2+$0xC0] =	vst.msk $0x1, v0  }
0xeb: {  	v0 =	vld.msk [tilespmem:s4+$0xE0], $0x1;
	_ =	sdelay $0x4  }
0xec: {  	[tilespmem:s2+$0xE0] =	vst.msk $0x1, v0;
	s2 =	sadd.s32 $0x1, s2  }
.LBB2_19:
0xed: {  	s4 =	sadd.s32 $0x1, s4  }
0xee: {  	p0 =	sne.s32 s4, $0x20  }
.Ltmp8:
0xef: {  	_ = 	snop;
	(pc) =	sbr.rel @!p0 .LBB2_20-.Ltmp8, $1  }
0xf0: {  	_ =	sdelay $0x3  }
.LBB2_12:
0xf1: {  	v0 =	vld.msk [tilespmem:s4+$0xC0], $0x1;
	_ =	sdelay $0x4  }
0xf2: {  	(v2sf) =	vpush v0, $0x0;
	_ =	sdelay $0xe  }
0xf3: {  	s5 =	spop (v2sf)  }
0xf4: {  	p0 =	seq.s32 s5, $0xFFFFFFFF  }
.Ltmp9:
0xf5: {  	_ = 	snop;
	(pc) =	sbr.rel @p0 .LBB2_19-.Ltmp9, $1  }
0xf6: {  	_ =	sdelay $0x3  }
0xf7: {  	p0 =	slt.s32 s2, $0x1  }
.Ltmp10:
0xf8: {  	_ = 	snop;
	(pc) =	sbr.rel @p0 .LBB2_17-.Ltmp10, $1  }
0xf9: {  	_ =	sdelay $0x3  }
0xfa: {  	s0 =	simm.s32 $0xC0;
	p0 =	por $0x0, $0x0  }
0xfb: {  	v1 =	vld.msk @!p0 [tilespmem:s0+$0x0], $0x1;
	_ =	sdelay $0x4  }
0xfc: {  	(v2sf) =	vpush @!p0 v1, $0x0;
	_ =	sdelay $0xd  }
0xfd: {  	p2 =	sne.s32 s2, $0x1  }
.Ltmp11:
0xfe: {  	s6 =	spop @!p0 (v2sf);
	(pc) =	sbr.rel @!p2 .LBB2_16-.Ltmp11, $4  }
0xff: {  	p1 =	seq.s32 @!p0 s5, s6  }
0x100: {  	s6 =	simm.s32 $0x0;
	p1 =	por !p1, p0  }
0x101: {  	s8 =	simm.s32 $0xFFFFFFFF;
	s6 =	simm.s32 @p1 $0xFFFFFFFF  }
0x102: {  	s7 =	simm.s32 $0x1;
	s6 =	smov.u32 @p0 s8  }
.LBB2_15:
0x103: {  	s8 =	smov.u32 s6;
	p0 =	sne.s32 s6, $0xFFFFFFFF  }
0x104: {  	s0 =	sadd.s32 $0x1, s0;
	s6 =	smov.u32 s7;
	s7 =	sadd.s32 $0x1, s7  }
0x105: {  	p1 =	sne.s32 s2, s7;
	v1 =	vld.msk @!p0 [tilespmem:s0+$0x0], $0x1;
	_ =	sdelay $0x4  }
0x106: {  	(v2sf) =	vpush @!p0 v1, $0x0;
	_ =	sdelay $0xe  }
.Ltmp12:
0x107: {  	s9 =	spop @!p0 (v2sf);
	(pc) =	sbr.rel @p1 .LBB2_15-.Ltmp12, $4  }
0x108: {  	p2 =	seq.s32 @!p0 s5, s9  }
0x109: {  	p2 =	por !p2, p0  }
0x10a: {  	s6 =	simm.s32 @p2 $0xFFFFFFFF  }
0x10b: {  	s6 =	smov.u32 @p0 s8  }
.LBB2_16:
0x10c: {  	p0 =	sne.s32 s6, $0xFFFFFFFF  }
.Ltmp13:
0x10d: {  	_ = 	snop;
	(pc) =	sbr.rel @!p0 .LBB2_17-.Ltmp13, $1  }
0x10e: {  	_ =	sdelay $0x3  }
0x10f: {  	v0 =	vld.msk [tilespmem:s4+$0xE0], $0x1;
	v1 =	vmov s6  }
.Ltmp14:
0x110: {  	_ = 	snop;
	(pc) =	sbr.rel .LBB2_19-.Ltmp14, $2  }
0x111: {  	_ =	sdelay $0x2  }
0x112: {  	[tilespmem:v1+s3+$0x0], v0 =	vst.idx.ret.add.s32.msk $0x1, v0  }
.LBB2_20:
0x113: {  	p0 =	slt.s32 s2, $0x1  }
.Ltmp15:
0x114: {  	_ = 	snop;
	(pc) =	sbr.rel @p0 .LBB2_24-.Ltmp15, $3  }
0x115: {  	_ =	sdelay $0x1  }
0x116: {  	s0 =	simm.s32 $0x6  }
0x117: {  	s3 =	simm.s32 $0x0;
	[sflag:s0] =	ssyncpa.u1 $0x1  }
0x118: {  	s0 =	simm.s32 $0xC0  }
0x119: {  	v0 =	vld.msk [tilespmem:s0+$0x0], $0x1;
	_ =	sdelay $0x4  }
0x11a: {  	(v2sf) =	vpush v0, $0x0;
	_ =	sdelay $0xe  }
0x11b: {  	s2 =	sadd.s32 $0xFFFFFFFF, s2;
	s4 =	spop (v2sf)  }
0x11c: {  	p1 =	sne.s32 s2, $0x0;
	p0 =	sgt.u32 s4, $0x527FFF  }
.Ltmp16:
0x11d: {  	s5 =	sshrl.u32 @!p0 s4, $0x3;
	(pc) =	sbr.rel @!p1 .LBB2_23-.Ltmp16, $4  }
0x11e: {  	s0 =	simm.s32 $0xE0;
	s4 =	sand.u32 @!p0 $0x7, s4;
	s5 =	sadd.s32 @!p0 s1, s5  }
0x11f: {  	[hbm4b:s5+s4] =	stream.linear.scatter @!p0 [tilespmem:s0], [sflag:$0x5], $0x1, $0x38;
	[tilespmem:$0x11A60] =	vst v63  }
0x120: {  	s5 =	simm.s32 $0x0  }
0x121: {  	s4 =	simm.s32 $0xC1;
	s5 =	simm.s32 @!p0 $0x4  }
.LBB2_22:
0x122: {  	v0 =	vld.msk [tilespmem:s4+$0x0], $0x1;
	s2 =	sadd.s32 $0xFFFFFFFF, s2;
	s3 =	sadd.s32 s3, s5  }
0x123: {  	p0 =	sne.s32 s2, $0x0;
	_ =	sdelay $0x3  }
0x124: {  	(v2sf) =	vpush v0, $0x0;
	_ =	sdelay $0xe  }
.Ltmp17:
0x125: {  	s6 =	spop (v2sf);
	(pc) =	sbr.rel @p0 .LBB2_22-.Ltmp17, $4  }
0x126: {  	s5 =	simm.s32 $0x0;
	p1 =	sgt.u32 s6, $0x527FFF  }
0x127: {  	s0 =	sadd.s32 $0x1, s0;
	s5 =	simm.s32 @!p1 $0x4;
	s7 =	sshrl.u32 @!p1 s6, $0x3  }
0x128: {  	s4 =	sadd.s32 $0x1, s4;
	s6 =	sand.u32 @!p1 $0x7, s6;
	s7 =	sadd.s32 @!p1 s1, s7  }
0x129: {  	[hbm4b:s7+s6] =	stream.linear.scatter @!p1 [tilespmem:s0], [sflag:$0x5], $0x1, $0x38;
	[tilespmem:$0x11A60] =	vst v63  }
.LBB2_23:
0x12a: {  	s0 =	sadd.s32 s3, s5  }
0x12b: {  	s3 =	sshrl.u32 s0, $0x2  }
.LBB2_24:
0x12c: {  	s0 =	simm.s32 $0x5  }
0x12d: {  	_ =	swait.ge [sflag:s0], s3  }
0x12e: {  	s1 =	ssub.s32 $0x0, s3;
	[sflag:s0] =	ssyncset.done $0x0  }
0x12f: {  	[sflag:s0] =	ssyncadd.s32 s1  }
0x130: {  	[sflag:s0] =	ssyncpa.u1 $0x1  }
0x131: {  	s29 =	simm.s32 $0x1;
	_ =	sfence  }
0x132: {  	s30 =	simm.s32 $0x2;
	[sflag:s29] =	ssyncpa.u1 $0x1  }
0x133: {  	[sflag:s30] =	ssyncpa.u1 $0x1  }
0x134: {  	_ =	strace $0x90000047  }
0x135: {  	[bflag:$0x2] =	sbarrier.arrive $0xFFFF  }
0x136: {  	s31 =	rddreg [dreg:$0x1]  }
0x137: {  	s0 =	sadd.s32 $0x100000, s31  }
0x138: {  	[sflag:s0] =	ssyncadd.tile.s32 $0x1;
	_ =	shalt  }
.Lfunc_end2:
_tile_overlayer_lowered:
.L_overlay_start_2:
0x139: {  	(tag) =	ssettag $0x2  }
0x13a: {  	s0 =	rddreg [dreg:$0x0];
	s2 =	stileid.u32  }
0x13b: {  	s1 =	rddreg [dreg:$0x1];
	p0 =	sne.s32 s2, $0x0  }
0x13c: {  	s3 =	rddreg [dreg:$0x2];
	[bflag:$0x3] =	sbarrier.arrive $0xFFFF;
	s2 =	simm.s32 @!p0 $0x1C01  }
0x13d: {  	[timem:s3], [sflag:s2] =	dma.local @!p0 [hbm:s0], s1  }
0x13e: {  	s0 =	simm.s32 @!p0 $0x1  }
0x13f: {  	_ =	swait.ge @!p0 [sflag:s0], s1  }
0x140: {  	s1 =	ssub.s32 @!p0 $0x0, s1;
	[sflag:s0] =	ssyncset.done @!p0 $0x0  }
0x141: {  	[sflag:s0] =	ssyncadd.s32 @!p0 s1  }
0x142: {  	[bflag:$0x3] =	sbarrier.arrive $0xFFFF  }
0x143: {  	_ =	shalt  }

</sc_bundles>
